<compile_context>
chip_gen: v7x
topology: tpu7x:2x2x1
jax: 0.10.2.dev20260603
libtpu: 0.0.44.dev20260713+nightly
codegen_flags: <defaults>
</compile_context>

<pallas_src>
import functools

import numpy as np
import jax
import jax.numpy as jnp
from jax import lax
from jax.experimental import pallas as pl
from jax.experimental.pallas import tpu as pltpu
from jax.experimental.pallas import tpu_sc as plsc

_C, _K, _D_IN, _M, _N = 64, 16, 1024, 1024, 8192
_NODES = _K - 1
_DEPTH = 4
_CK = _C * _K
_EPS = 1e-8

_node_map = np.zeros((_DEPTH, _K), dtype=np.int32)
_sign_map = np.zeros((_DEPTH, _K), dtype=np.float32)
for _k in range(_K):
    _node = 0
    for _l in range(_DEPTH):
        _bit = (_k >> (_DEPTH - 1 - _l)) & 1
        _node_map[_l, _k] = _node
        _sign_map[_l, _k] = 1.0 if _bit else -1.0
        _node = 2 * _node + 1 + _bit

_bp = np.zeros((_K, _NODES), dtype=np.float32)
_bm = np.zeros((_K, _NODES), dtype=np.float32)
for _k in range(_K):
    for _l in range(_DEPTH):
        _j = _node_map[_l, _k]
        if _sign_map[_l, _k] > 0:
            _bp[_k, _j] = 1.0
        else:
            _bm[_k, _j] = 1.0
_wp = np.zeros((_C, _NODES, _C, _K), dtype=np.float32)
_wm = np.zeros((_C, _NODES, _C, _K), dtype=np.float32)
for _c in range(_C):
    _wp[_c, :, _c, :] = _bp.T
    _wm[_c, :, _c, :] = _bm.T
_wp = _wp.reshape(_C * _NODES, _CK)
_wm = _wm.reshape(_C * _NODES, _CK)

_NUM_WORKERS = 32
_N_SC = 2048
_RBLK = 16
_UNROLL = 8
_VECS = _CK // 16


def _sc_encode_body(rows_per_w, i_hbm, dim_hbm, t_hbm, a_hbm, e_hbm,
                    dim_v, t_v, a_v, in_v, out_v):
    nc = 2
    wid = lax.axis_index("s") * nc + lax.axis_index("c")
    base = wid * rows_per_w

    pltpu.sync_copy(dim_hbm, dim_v)
    pltpu.sync_copy(t_hbm, t_v)
    pltpu.sync_copy(a_hbm, a_v)

    def block_body(b, carry):
        r0 = base + b * _RBLK
        pltpu.sync_copy(i_hbm.at[pl.ds(r0, _RBLK)], in_v)

        def v_body(v, carry2):
            col = v * 16
            idx = [dim_v[d, pl.ds(col, 16)] for d in range(_DEPTH)]
            tt = [t_v[d, pl.ds(col, 16)] for d in range(_DEPTH)]
            aa = [a_v[d, pl.ds(col, 16)] for d in range(_DEPTH)]

            def r_body(ru, carry3):
                r = ru * _UNROLL
                xs = []
                for u in range(_UNROLL):
                    roff = jnp.full((16,), r + u, jnp.int32)
                    xs.append([plsc.load_gather(in_v, [roff, idx[d]])
                               for d in range(_DEPTH)])
                ws = [[(tt[d] - xs[u][d]) * aa[d] for d in range(_DEPTH)]
                      for u in range(_UNROLL)]
                es = [[1.0 + jnp.exp(ws[u][d]) for d in range(_DEPTH)]
                      for u in range(_UNROLL)]
                dens = [(es[u][0] * es[u][1]) * (es[u][2] * es[u][3])
                        for u in range(_UNROLL)]
                recips = [1.0 / dens[u] for u in range(_UNROLL)]
                for u in range(_UNROLL):
                    out_v[r + u, pl.ds(col, 16)] = recips[u]
                return carry3

            return lax.fori_loop(0, _RBLK // _UNROLL, r_body, carry2)

        lax.fori_loop(0, _VECS, v_body, 0)
        pltpu.sync_copy(out_v, e_hbm.at[pl.ds(r0, _RBLK)])
        return carry

    lax.fori_loop(0, rows_per_w // _RBLK, block_body, 0)


def _sc_encode(I, dim_e, t_e, a_e, nrows):
    rows_per_w = nrows // _NUM_WORKERS
    mesh = plsc.VectorSubcoreMesh(core_axis_name="c", subcore_axis_name="s")
    kfn = functools.partial(
        pl.kernel,
        mesh=mesh,
        compiler_params=pltpu.CompilerParams(needs_layout_passes=False,
                                             use_tc_tiling_on_sc=True),
        out_type=jax.ShapeDtypeStruct((nrows, _CK), jnp.float32),
        scratch_types=[
            pltpu.VMEM((_DEPTH, _CK), jnp.int32),
            pltpu.VMEM((_DEPTH, _CK), jnp.float32),
            pltpu.VMEM((_DEPTH, _CK), jnp.float32),
            pltpu.VMEM((_RBLK, _D_IN), jnp.float32),
            pltpu.VMEM((_RBLK, _CK), jnp.float32),
        ],
    )(functools.partial(_sc_encode_body, rows_per_w))
    return kfn(I, dim_e, t_e, a_e)


_TC_TILE = 1024
_SC_TILES = _N_SC // _TC_TILE
_CONTRACT_RHS1 = (((1,), (1,)), ((), ()))


def _tc_fused_body(invt_ref, i_ref, sf_ref, tf_ref, wp_ref, wm_ref, lr_ref,
                   o_ref):
    invt = invt_ref[0, 0]
    h = lax.dot_general(i_ref[...], sf_ref[...], _CONTRACT_RHS1,
                        preferred_element_type=jnp.float32)
    z = (h - tf_ref[0, :][None, :]) * invt
    sig = jax.nn.sigmoid(z)
    logp = jnp.log(sig + _EPS)
    logm = jnp.log(1.0 - sig + _EPS)
    log_e = (
        jnp.dot(logp, wp_ref[...], preferred_element_type=jnp.float32)
        + jnp.dot(logm, wm_ref[...], preferred_element_type=jnp.float32)
    )
    e = jnp.exp(log_e).astype(jnp.bfloat16)
    o_ref[...] = lax.dot_general(e, lr_ref[...], _CONTRACT_RHS1,
                                 preferred_element_type=jnp.float32)


def _tc_fused(inv_t, I, s_flat, t_flat, lr_bf16):
    grid = ((_N - _N_SC) // _TC_TILE,)
    return pl.pallas_call(
        _tc_fused_body,
        grid=grid,
        in_specs=[
            pl.BlockSpec((1, 1), lambda i: (0, 0)),
            pl.BlockSpec((_TC_TILE, _D_IN), lambda i: (i + _SC_TILES, 0)),
            pl.BlockSpec((_C * _NODES, _D_IN), lambda i: (0, 0)),
            pl.BlockSpec((1, _C * _NODES), lambda i: (0, 0)),
            pl.BlockSpec((_C * _NODES, _CK), lambda i: (0, 0)),
            pl.BlockSpec((_C * _NODES, _CK), lambda i: (0, 0)),
            pl.BlockSpec((_M, _CK), lambda i: (0, 0)),
        ],
        out_specs=pl.BlockSpec((_TC_TILE, _M), lambda i: (i + _SC_TILES, 0)),
        out_shape=jax.ShapeDtypeStruct((_N, _M), jnp.float32),
    )(inv_t, I, s_flat, t_flat,
      jnp.asarray(_wp), jnp.asarray(_wm), lr_bf16)


def _tc_decode_body(e1_ref, lr_ref, prev_ref, o_ref):
    o_ref[...] = lax.dot_general(
        e1_ref[...].astype(jnp.bfloat16), lr_ref[...],
        _CONTRACT_RHS1, preferred_element_type=jnp.float32)


def _tc_decode(E1, lr_bf16, prev_out):
    grid = (_SC_TILES,)
    return pl.pallas_call(
        _tc_decode_body,
        grid=grid,
        in_specs=[
            pl.BlockSpec((_TC_TILE, _CK), lambda i: (i, 0)),
            pl.BlockSpec((_M, _CK), lambda i: (0, 0)),
            pl.BlockSpec(memory_space=pl.ANY),
        ],
        out_specs=pl.BlockSpec((_TC_TILE, _M), lambda i: (i, 0)),
        out_shape=jax.ShapeDtypeStruct((_N, _M), jnp.float32),
        input_output_aliases={2: 0},
    )(E1, lr_bf16, prev_out)


def kernel(I, T, L, S, B, dims, temp):
    node = jnp.asarray(_node_map)
    sign = jnp.asarray(_sign_map)
    inv_t = 1.0 / temp[0]

    dim_e = jnp.transpose(dims[:, node], (1, 0, 2)).reshape(_DEPTH, _CK)
    t_e = jnp.transpose(T[:, node], (1, 0, 2)).reshape(_DEPTH, _CK)
    a_e = jnp.broadcast_to((sign * inv_t)[:, None, :],
                           (_DEPTH, _C, _K)).reshape(_DEPTH, _CK)

    lr = L.reshape(_M, _CK).astype(jnp.bfloat16)
    s_flat = S.reshape(_C * _NODES, _D_IN)
    t_flat = T.reshape(1, _C * _NODES)

    E1 = _sc_encode(I, dim_e.astype(jnp.int32), t_e, a_e, _N_SC)
    out = _tc_fused(inv_t.reshape(1, 1), I, s_flat, t_flat, lr)
    return _tc_decode(E1, lr, out)

# --- scband reference (transcript-rebuilt; emitter-appended) ---
"""Pipeline reference for scband-halut-matmul-53747220742286 (READ-ONLY COPY).

The authoritative reference and input builder live on the scoring server;
editing this copy changes nothing except your own understanding.
"""

import math
import jax, jax.numpy as jnp
import numpy as np

C, K, D_IN, M, N = 64, 16, 1024, 1024, 8192
NODES = K - 1

def _tree_matrix(K):
    # Complete binary decision tree with K leaves, K-1 internal nodes in heap order.
    # B[k, j] = +1 if leaf k's root-to-leaf path goes right at node j, -1 if left, 0 if node j not on path.
    depth = int(math.log2(K))
    B = np.zeros((K, K - 1), dtype=np.float32)
    for k in range(K):
        node = 0
        for d in range(depth - 1, -1, -1):
            bit = (k >> d) & 1
            B[k, node] = 1.0 if bit else -1.0
            node = 2 * node + 1 + bit
    return B

def setup_inputs(seed: int = 0):
    key = jax.random.key(seed)
    k1, k2, k3, k4 = jax.random.split(key, 4)
    I = jax.random.normal(k1, (N, D_IN), dtype=jnp.float32)
    T = jax.random.normal(k2, (C, NODES), dtype=jnp.float32)
    L = jax.random.normal(k3, (M, C, K), dtype=jnp.float32) * (1.0 / math.sqrt(C))
    dims = jax.random.randint(k4, (C, NODES), 0, D_IN)
    S = jax.nn.one_hot(dims, D_IN, dtype=jnp.float32)  # dense selection matrix equivalent of dims
    B = jnp.asarray(_tree_matrix(K))
    temp = jnp.ones((1,), dtype=jnp.float32)
    return {"I": I, "T": T, "L": L, "S": S, "B": B, "dims": dims, "temp": temp}

def reference(I, T, L, S, B, dims, temp):
    # Differentiable Halut/MADDNESS matmul forward.
    # 1) Encoding: gather per-tree-node feature dims, soft-threshold with sigmoid,
    #    combine node decisions along tree paths (matrix B) into soft one-hot over K leaves.
    # 2) Decoding: soft LUT read, contraction of soft encoding with LUT L.
    eps = 1e-8
    n = I.shape[0]
    h = jnp.take(I, dims.reshape(-1), axis=1).reshape(n, C, NODES)  # SparseCore-style gather
    sig = jax.nn.sigmoid((h - T[None, :, :]) / temp[0])  # [N, C, NODES]
    Bp = (B > 0.5).astype(jnp.float32)   # right-branch indicator [K, NODES]
    Bm = (B < -0.5).astype(jnp.float32)  # left-branch indicator  [K, NODES]
    logE = jnp.einsum("ncj,kj->nck", jnp.log(sig + eps), Bp) + jnp.einsum("ncj,kj->nck", jnp.log(1.0 - sig + eps), Bm)
    E = jnp.exp(logE)  # soft one-hot encoding [N, C, K], rows sum to ~1 per codebook
    out = jnp.einsum("nck,mck->nm", E, L)  # soft LUT decode -> [N, M]
    return out

if __name__ == "__main__":
    import jax
    _d = setup_inputs()
    print(jax.jit(kernel)(*tuple(_d.values())))

</pallas_src>

<mosaic_0001>
#map = affine_map<(d0, d1) -> (0, 0)>
module attributes {stable_mosaic.version = 14 : i64} {
  func.func @_sc_encode_body(%arg0: i32, %arg1: i32, %arg2: memref<8192x1024xf32, #tpu.memory_space<hbm>>, %arg3: memref<4x1024xi32, #tpu.memory_space<hbm>>, %arg4: memref<4x1024xf32, #tpu.memory_space<hbm>>, %arg5: memref<4x1024xf32, #tpu.memory_space<hbm>>, %arg6: memref<2048x1024xf32, #tpu.memory_space<hbm>>, %arg7: memref<4x1024xi32, #tpu.memory_space<vmem>>, %arg8: memref<4x1024xf32, #tpu.memory_space<vmem>>, %arg9: memref<4x1024xf32, #tpu.memory_space<vmem>>, %arg10: memref<16x1024xf32, #tpu.memory_space<vmem>>, %arg11: memref<16x1024xf32, #tpu.memory_space<vmem>>) attributes {dimension_semantics = [#tpu.dimension_semantics<core_parallel>, #tpu.dimension_semantics<subcore_parallel>], iteration_bounds = array<i64: 2, 16>, scalar_prefetch = 0 : i64, scratch_operands = 5 : i64, tpu.core_type = #tpu.core_type<sc_vector_subcore>, window_params = [{transform_indices = #map}, {transform_indices = #map}, {transform_indices = #map}, {transform_indices = #map}, {transform_indices = #map}]} {
    %mul3A = arith.constant 2 : i32
    %mul3A_0 = arith.muli %arg1, %mul3A : i32
    %add3A = arith.addi %mul3A_0, %arg0 : i32
    %mul3A_1 = arith.constant 64 : i32
    %mul3A_2 = arith.muli %add3A, %mul3A_1 : i32
    "tpu.region"() ({
      %run_scoped3A = tpu.sem_alloc : memref<!tpu.dma_semaphore, #tpu.memory_space<semaphore_mem>>
      tpu.enqueue_dma source(%arg3 : memref<4x1024xi32, #tpu.memory_space<hbm>>) target(%arg7 : memref<4x1024xi32, #tpu.memory_space<vmem>>) target_semaphore(%run_scoped3A : memref<!tpu.dma_semaphore, #tpu.memory_space<semaphore_mem>>)
      tpu.wait_dma2 semaphore(%run_scoped3A : memref<!tpu.dma_semaphore, #tpu.memory_space<semaphore_mem>>) src(%arg3 : memref<4x1024xi32, #tpu.memory_space<hbm>>) dst(%arg7 : memref<4x1024xi32, #tpu.memory_space<vmem>>)
      tpu.yield
    }) : () -> ()
    "tpu.region"() ({
      %run_scoped3A = tpu.sem_alloc : memref<!tpu.dma_semaphore, #tpu.memory_space<semaphore_mem>>
      tpu.enqueue_dma source(%arg4 : memref<4x1024xf32, #tpu.memory_space<hbm>>) target(%arg8 : memref<4x1024xf32, #tpu.memory_space<vmem>>) target_semaphore(%run_scoped3A : memref<!tpu.dma_semaphore, #tpu.memory_space<semaphore_mem>>)
      tpu.wait_dma2 semaphore(%run_scoped3A : memref<!tpu.dma_semaphore, #tpu.memory_space<semaphore_mem>>) src(%arg4 : memref<4x1024xf32, #tpu.memory_space<hbm>>) dst(%arg8 : memref<4x1024xf32, #tpu.memory_space<vmem>>)
      tpu.yield
    }) : () -> ()
    "tpu.region"() ({
      %run_scoped3A = tpu.sem_alloc : memref<!tpu.dma_semaphore, #tpu.memory_space<semaphore_mem>>
      tpu.enqueue_dma source(%arg5 : memref<4x1024xf32, #tpu.memory_space<hbm>>) target(%arg9 : memref<4x1024xf32, #tpu.memory_space<vmem>>) target_semaphore(%run_scoped3A : memref<!tpu.dma_semaphore, #tpu.memory_space<semaphore_mem>>)
      tpu.wait_dma2 semaphore(%run_scoped3A : memref<!tpu.dma_semaphore, #tpu.memory_space<semaphore_mem>>) src(%arg5 : memref<4x1024xf32, #tpu.memory_space<hbm>>) dst(%arg9 : memref<4x1024xf32, #tpu.memory_space<vmem>>)
      tpu.yield
    }) : () -> ()
    %scan3A = arith.constant 0 : i32
    %scan3A_3 = arith.constant 0 : i32
    %scan3A_4 = arith.constant 4 : i32
    %scan3A_5 = arith.addi %scan3A_3, %scan3A_4 : i32
    %scan3A_6 = arith.constant 1 : i32
    scf.for %scan3A_8 = %scan3A_3 to %scan3A_5 step %scan3A_6  : i32 {
      %mul3A_9 = arith.constant 16 : i32
      %mul3A_10 = arith.muli %scan3A_8, %mul3A_9 : i32
      %add3A_11 = arith.addi %mul3A_2, %mul3A_10 : i32
      "tpu.region"() ({
        %run_scoped3A = tpu.sem_alloc : memref<!tpu.dma_semaphore, #tpu.memory_space<semaphore_mem>>
        %dma_start3A = arith.constant 0 : i32
        %dma_start3A_18 = tpu.memref_slice %arg2[%add3A_11, %dma_start3A] : memref<8192x1024xf32, #tpu.memory_space<hbm>> -> memref<16x1024xf32, #tpu.memory_space<hbm>>
        %dma_start3A_19 = arith.constant 0 : i32
        %dma_start3A_20 = tpu.memref_slice %arg2[%add3A_11, %dma_start3A_19] : memref<8192x1024xf32, #tpu.memory_space<hbm>> -> memref<16x1024xf32, #tpu.memory_space<hbm>>
        tpu.enqueue_dma source(%dma_start3A_20 : memref<16x1024xf32, #tpu.memory_space<hbm>>) target(%arg10 : memref<16x1024xf32, #tpu.memory_space<vmem>>) target_semaphore(%run_scoped3A : memref<!tpu.dma_semaphore, #tpu.memory_space<semaphore_mem>>)
        %dma_wait3A = arith.constant 0 : i32
        %dma_wait3A_21 = tpu.memref_slice %arg2[%add3A_11, %dma_wait3A] : memref<8192x1024xf32, #tpu.memory_space<hbm>> -> memref<16x1024xf32, #tpu.memory_space<hbm>>
        %dma_wait3A_22 = arith.constant 0 : i32
        %dma_wait3A_23 = tpu.memref_slice %arg2[%add3A_11, %dma_wait3A_22] : memref<8192x1024xf32, #tpu.memory_space<hbm>> -> memref<16x1024xf32, #tpu.memory_space<hbm>>
        tpu.wait_dma2 semaphore(%run_scoped3A : memref<!tpu.dma_semaphore, #tpu.memory_space<semaphore_mem>>) src(%dma_wait3A_23 : memref<16x1024xf32, #tpu.memory_space<hbm>>) dst(%arg10 : memref<16x1024xf32, #tpu.memory_space<vmem>>)
        tpu.yield
      }) : () -> ()
      %scan3A_12 = arith.constant 0 : i32
      %scan3A_13 = arith.constant 0 : i32
      %scan3A_14 = arith.constant 64 : i32
      %scan3A_15 = arith.addi %scan3A_13, %scan3A_14 : i32
      %scan3A_16 = arith.constant 1 : i32
      scf.for %scan3A_18 = %scan3A_13 to %scan3A_15 step %scan3A_16  : i32 {
        %mul3A_19 = arith.constant 16 : i32
        %mul3A_20 = arith.muli %scan3A_18, %mul3A_19 : i32
        %get3A = arith.constant 0 : i32
        %get3A_21 = arith.index_cast %get3A : i32 to index
        %get3A_22 = arith.index_cast %mul3A_20 : i32 to index
        %get3A_23 = tpu.vector_load %arg7[%get3A_21, %get3A_22] {strides = array<i32>} : memref<4x1024xi32, #tpu.memory_space<vmem>>, vector<16xi32>,
        %get3A_24 = arith.constant 1 : i32
        %get3A_25 = arith.index_cast %get3A_24 : i32 to index
        %get3A_26 = arith.index_cast %mul3A_20 : i32 to index
        %get3A_27 = tpu.vector_load %arg7[%get3A_25, %get3A_26] {strides = array<i32>} : memref<4x1024xi32, #tpu.memory_space<vmem>>, vector<16xi32>,
        %get3A_28 = arith.constant 2 : i32
        %get3A_29 = arith.index_cast %get3A_28 : i32 to index
        %get3A_30 = arith.index_cast %mul3A_20 : i32 to index
        %get3A_31 = tpu.vector_load %arg7[%get3A_29, %get3A_30] {strides = array<i32>} : memref<4x1024xi32, #tpu.memory_space<vmem>>, vector<16xi32>,
        %get3A_32 = arith.constant 3 : i32
        %get3A_33 = arith.index_cast %get3A_32 : i32 to index
        %get3A_34 = arith.index_cast %mul3A_20 : i32 to index
        %get3A_35 = tpu.vector_load %arg7[%get3A_33, %get3A_34] {strides = array<i32>} : memref<4x1024xi32, #tpu.memory_space<vmem>>, vector<16xi32>,
        %get3A_36 = arith.constant 0 : i32
        %get3A_37 = arith.index_cast %get3A_36 : i32 to index
        %get3A_38 = arith.index_cast %mul3A_20 : i32 to index
        %get3A_39 = tpu.vector_load %arg8[%get3A_37, %get3A_38] {strides = array<i32>} : memref<4x1024xf32, #tpu.memory_space<vmem>>, vector<16xf32>,
        %get3A_40 = arith.constant 1 : i32
        %get3A_41 = arith.index_cast %get3A_40 : i32 to index
        %get3A_42 = arith.index_cast %mul3A_20 : i32 to index
        %get3A_43 = tpu.vector_load %arg8[%get3A_41, %get3A_42] {strides = array<i32>} : memref<4x1024xf32, #tpu.memory_space<vmem>>, vector<16xf32>,
        %get3A_44 = arith.constant 2 : i32
        %get3A_45 = arith.index_cast %get3A_44 : i32 to index
        %get3A_46 = arith.index_cast %mul3A_20 : i32 to index
        %get3A_47 = tpu.vector_load %arg8[%get3A_45, %get3A_46] {strides = array<i32>} : memref<4x1024xf32, #tpu.memory_space<vmem>>, vector<16xf32>,
        %get3A_48 = arith.constant 3 : i32
        %get3A_49 = arith.index_cast %get3A_48 : i32 to index
        %get3A_50 = arith.index_cast %mul3A_20 : i32 to index
        %get3A_51 = tpu.vector_load %arg8[%get3A_49, %get3A_50] {strides = array<i32>} : memref<4x1024xf32, #tpu.memory_space<vmem>>, vector<16xf32>,
        %get3A_52 = arith.constant 0 : i32
        %get3A_53 = arith.index_cast %get3A_52 : i32 to index
        %get3A_54 = arith.index_cast %mul3A_20 : i32 to index
        %get3A_55 = tpu.vector_load %arg9[%get3A_53, %get3A_54] {strides = array<i32>} : memref<4x1024xf32, #tpu.memory_space<vmem>>, vector<16xf32>,
        %get3A_56 = arith.constant 1 : i32
        %get3A_57 = arith.index_cast %get3A_56 : i32 to index
        %get3A_58 = arith.index_cast %mul3A_20 : i32 to index
        %get3A_59 = tpu.vector_load %arg9[%get3A_57, %get3A_58] {strides = array<i32>} : memref<4x1024xf32, #tpu.memory_space<vmem>>, vector<16xf32>,
        %get3A_60 = arith.constant 2 : i32
        %get3A_61 = arith.index_cast %get3A_60 : i32 to index
        %get3A_62 = arith.index_cast %mul3A_20 : i32 to index
        %get3A_63 = tpu.vector_load %arg9[%get3A_61, %get3A_62] {strides = array<i32>} : memref<4x1024xf32, #tpu.memory_space<vmem>>, vector<16xf32>,
        %get3A_64 = arith.constant 3 : i32
        %get3A_65 = arith.index_cast %get3A_64 : i32 to index
        %get3A_66 = arith.index_cast %mul3A_20 : i32 to index
        %get3A_67 = tpu.vector_load %arg9[%get3A_65, %get3A_66] {strides = array<i32>} : memref<4x1024xf32, #tpu.memory_space<vmem>>, vector<16xf32>,
        %scan3A_68 = arith.constant 0 : i32
        %scan3A_69 = arith.constant 2 : i32
        %scan3A_70 = arith.addi %scan3A_68, %scan3A_69 : i32
        %scan3A_71 = arith.constant 1 : i32
        scf.for %scan3A_73 = %scan3A_68 to %scan3A_70 step %scan3A_71  : i32 {
          %mul3A_74 = arith.constant 8 : i32
          %mul3A_75 = arith.muli %scan3A_73, %mul3A_74 : i32
          %add3A_76 = arith.constant 0 : i32
          %add3A_77 = arith.addi %mul3A_75, %add3A_76 : i32
          %broadcast_in_dim3A = vector.broadcast %add3A_77 : i32 to vector<16xi32>
          %gather3A = tpu.vector_load_idx %arg10[%broadcast_in_dim3A, %get3A_23] : memref<16x1024xf32, #tpu.memory_space<vmem>>[vector<16xi32>, vector<16xi32>], vector<16xf32>,
          %gather3A_78 = tpu.vector_load_idx %arg10[%broadcast_in_dim3A, %get3A_27] : memref<16x1024xf32, #tpu.memory_space<vmem>>[vector<16xi32>, vector<16xi32>], vector<16xf32>,
          %gather3A_79 = tpu.vector_load_idx %arg10[%broadcast_in_dim3A, %get3A_31] : memref<16x1024xf32, #tpu.memory_space<vmem>>[vector<16xi32>, vector<16xi32>], vector<16xf32>,
          %gather3A_80 = tpu.vector_load_idx %arg10[%broadcast_in_dim3A, %get3A_35] : memref<16x1024xf32, #tpu.memory_space<vmem>>[vector<16xi32>, vector<16xi32>], vector<16xf32>,
          %add3A_81 = arith.constant 1 : i32
          %add3A_82 = arith.addi %mul3A_75, %add3A_81 : i32
          %broadcast_in_dim3A_83 = vector.broadcast %add3A_82 : i32 to vector<16xi32>
          %gather3A_84 = tpu.vector_load_idx %arg10[%broadcast_in_dim3A_83, %get3A_23] : memref<16x1024xf32, #tpu.memory_space<vmem>>[vector<16xi32>, vector<16xi32>], vector<16xf32>,
          %gather3A_85 = tpu.vector_load_idx %arg10[%broadcast_in_dim3A_83, %get3A_27] : memref<16x1024xf32, #tpu.memory_space<vmem>>[vector<16xi32>, vector<16xi32>], vector<16xf32>,
          %gather3A_86 = tpu.vector_load_idx %arg10[%broadcast_in_dim3A_83, %get3A_31] : memref<16x1024xf32, #tpu.memory_space<vmem>>[vector<16xi32>, vector<16xi32>], vector<16xf32>,
          %gather3A_87 = tpu.vector_load_idx %arg10[%broadcast_in_dim3A_83, %get3A_35] : memref<16x1024xf32, #tpu.memory_space<vmem>>[vector<16xi32>, vector<16xi32>], vector<16xf32>,
          %add3A_88 = arith.constant 2 : i32
          %add3A_89 = arith.addi %mul3A_75, %add3A_88 : i32
          %broadcast_in_dim3A_90 = vector.broadcast %add3A_89 : i32 to vector<16xi32>
          %gather3A_91 = tpu.vector_load_idx %arg10[%broadcast_in_dim3A_90, %get3A_23] : memref<16x1024xf32, #tpu.memory_space<vmem>>[vector<16xi32>, vector<16xi32>], vector<16xf32>,
          %gather3A_92 = tpu.vector_load_idx %arg10[%broadcast_in_dim3A_90, %get3A_27] : memref<16x1024xf32, #tpu.memory_space<vmem>>[vector<16xi32>, vector<16xi32>], vector<16xf32>,
          %gather3A_93 = tpu.vector_load_idx %arg10[%broadcast_in_dim3A_90, %get3A_31] : memref<16x1024xf32, #tpu.memory_space<vmem>>[vector<16xi32>, vector<16xi32>], vector<16xf32>,
          %gather3A_94 = tpu.vector_load_idx %arg10[%broadcast_in_dim3A_90, %get3A_35] : memref<16x1024xf32, #tpu.memory_space<vmem>>[vector<16xi32>, vector<16xi32>], vector<16xf32>,
          %add3A_95 = arith.constant 3 : i32
          %add3A_96 = arith.addi %mul3A_75, %add3A_95 : i32
          %broadcast_in_dim3A_97 = vector.broadcast %add3A_96 : i32 to vector<16xi32>
          %gather3A_98 = tpu.vector_load_idx %arg10[%broadcast_in_dim3A_97, %get3A_23] : memref<16x1024xf32, #tpu.memory_space<vmem>>[vector<16xi32>, vector<16xi32>], vector<16xf32>,
          %gather3A_99 = tpu.vector_load_idx %arg10[%broadcast_in_dim3A_97, %get3A_27] : memref<16x1024xf32, #tpu.memory_space<vmem>>[vector<16xi32>, vector<16xi32>], vector<16xf32>,
          %gather3A_100 = tpu.vector_load_idx %arg10[%broadcast_in_dim3A_97, %get3A_31] : memref<16x1024xf32, #tpu.memory_space<vmem>>[vector<16xi32>, vector<16xi32>], vector<16xf32>,
          %gather3A_101 = tpu.vector_load_idx %arg10[%broadcast_in_dim3A_97, %get3A_35] : memref<16x1024xf32, #tpu.memory_space<vmem>>[vector<16xi32>, vector<16xi32>], vector<16xf32>,
          %add3A_102 = arith.constant 4 : i32
          %add3A_103 = arith.addi %mul3A_75, %add3A_102 : i32
          %broadcast_in_dim3A_104 = vector.broadcast %add3A_103 : i32 to vector<16xi32>
          %gather3A_105 = tpu.vector_load_idx %arg10[%broadcast_in_dim3A_104, %get3A_23] : memref<16x1024xf32, #tpu.memory_space<vmem>>[vector<16xi32>, vector<16xi32>], vector<16xf32>,
          %gather3A_106 = tpu.vector_load_idx %arg10[%broadcast_in_dim3A_104, %get3A_27] : memref<16x1024xf32, #tpu.memory_space<vmem>>[vector<16xi32>, vector<16xi32>], vector<16xf32>,
          %gather3A_107 = tpu.vector_load_idx %arg10[%broadcast_in_dim3A_104, %get3A_31] : memref<16x1024xf32, #tpu.memory_space<vmem>>[vector<16xi32>, vector<16xi32>], vector<16xf32>,
          %gather3A_108 = tpu.vector_load_idx %arg10[%broadcast_in_dim3A_104, %get3A_35] : memref<16x1024xf32, #tpu.memory_space<vmem>>[vector<16xi32>, vector<16xi32>], vector<16xf32>,
          %add3A_109 = arith.constant 5 : i32
          %add3A_110 = arith.addi %mul3A_75, %add3A_109 : i32
          %broadcast_in_dim3A_111 = vector.broadcast %add3A_110 : i32 to vector<16xi32>
          %gather3A_112 = tpu.vector_load_idx %arg10[%broadcast_in_dim3A_111, %get3A_23] : memref<16x1024xf32, #tpu.memory_space<vmem>>[vector<16xi32>, vector<16xi32>], vector<16xf32>,
          %gather3A_113 = tpu.vector_load_idx %arg10[%broadcast_in_dim3A_111, %get3A_27] : memref<16x1024xf32, #tpu.memory_space<vmem>>[vector<16xi32>, vector<16xi32>], vector<16xf32>,
          %gather3A_114 = tpu.vector_load_idx %arg10[%broadcast_in_dim3A_111, %get3A_31] : memref<16x1024xf32, #tpu.memory_space<vmem>>[vector<16xi32>, vector<16xi32>], vector<16xf32>,
          %gather3A_115 = tpu.vector_load_idx %arg10[%broadcast_in_dim3A_111, %get3A_35] : memref<16x1024xf32, #tpu.memory_space<vmem>>[vector<16xi32>, vector<16xi32>], vector<16xf32>,
          %add3A_116 = arith.constant 6 : i32
          %add3A_117 = arith.addi %mul3A_75, %add3A_116 : i32
          %broadcast_in_dim3A_118 = vector.broadcast %add3A_117 : i32 to vector<16xi32>
          %gather3A_119 = tpu.vector_load_idx %arg10[%broadcast_in_dim3A_118, %get3A_23] : memref<16x1024xf32, #tpu.memory_space<vmem>>[vector<16xi32>, vector<16xi32>], vector<16xf32>,
          %gather3A_120 = tpu.vector_load_idx %arg10[%broadcast_in_dim3A_118, %get3A_27] : memref<16x1024xf32, #tpu.memory_space<vmem>>[vector<16xi32>, vector<16xi32>], vector<16xf32>,
          %gather3A_121 = tpu.vector_load_idx %arg10[%broadcast_in_dim3A_118, %get3A_31] : memref<16x1024xf32, #tpu.memory_space<vmem>>[vector<16xi32>, vector<16xi32>], vector<16xf32>,
          %gather3A_122 = tpu.vector_load_idx %arg10[%broadcast_in_dim3A_118, %get3A_35] : memref<16x1024xf32, #tpu.memory_space<vmem>>[vector<16xi32>, vector<16xi32>], vector<16xf32>,
          %add3A_123 = arith.constant 7 : i32
          %add3A_124 = arith.addi %mul3A_75, %add3A_123 : i32
          %broadcast_in_dim3A_125 = vector.broadcast %add3A_124 : i32 to vector<16xi32>
          %gather3A_126 = tpu.vector_load_idx %arg10[%broadcast_in_dim3A_125, %get3A_23] : memref<16x1024xf32, #tpu.memory_space<vmem>>[vector<16xi32>, vector<16xi32>], vector<16xf32>,
          %gather3A_127 = tpu.vector_load_idx %arg10[%broadcast_in_dim3A_125, %get3A_27] : memref<16x1024xf32, #tpu.memory_space<vmem>>[vector<16xi32>, vector<16xi32>], vector<16xf32>,
          %gather3A_128 = tpu.vector_load_idx %arg10[%broadcast_in_dim3A_125, %get3A_31] : memref<16x1024xf32, #tpu.memory_space<vmem>>[vector<16xi32>, vector<16xi32>], vector<16xf32>,
          %gather3A_129 = tpu.vector_load_idx %arg10[%broadcast_in_dim3A_125, %get3A_35] : memref<16x1024xf32, #tpu.memory_space<vmem>>[vector<16xi32>, vector<16xi32>], vector<16xf32>,
          %sub3A = arith.subf %get3A_39, %gather3A : vector<16xf32>
          %mul3A_130 = arith.mulf %sub3A, %get3A_55 : vector<16xf32>
          %sub3A_131 = arith.subf %get3A_43, %gather3A_78 : vector<16xf32>
          %mul3A_132 = arith.mulf %sub3A_131, %get3A_59 : vector<16xf32>
          %sub3A_133 = arith.subf %get3A_47, %gather3A_79 : vector<16xf32>
          %mul3A_134 = arith.mulf %sub3A_133, %get3A_63 : vector<16xf32>
          %sub3A_135 = arith.subf %get3A_51, %gather3A_80 : vector<16xf32>
          %mul3A_136 = arith.mulf %sub3A_135, %get3A_67 : vector<16xf32>
          %sub3A_137 = arith.subf %get3A_39, %gather3A_84 : vector<16xf32>
          %mul3A_138 = arith.mulf %sub3A_137, %get3A_55 : vector<16xf32>
          %sub3A_139 = arith.subf %get3A_43, %gather3A_85 : vector<16xf32>
          %mul3A_140 = arith.mulf %sub3A_139, %get3A_59 : vector<16xf32>
          %sub3A_141 = arith.subf %get3A_47, %gather3A_86 : vector<16xf32>
          %mul3A_142 = arith.mulf %sub3A_141, %get3A_63 : vector<16xf32>
          %sub3A_143 = arith.subf %get3A_51, %gather3A_87 : vector<16xf32>
          %mul3A_144 = arith.mulf %sub3A_143, %get3A_67 : vector<16xf32>
          %sub3A_145 = arith.subf %get3A_39, %gather3A_91 : vector<16xf32>
          %mul3A_146 = arith.mulf %sub3A_145, %get3A_55 : vector<16xf32>
          %sub3A_147 = arith.subf %get3A_43, %gather3A_92 : vector<16xf32>
          %mul3A_148 = arith.mulf %sub3A_147, %get3A_59 : vector<16xf32>
          %sub3A_149 = arith.subf %get3A_47, %gather3A_93 : vector<16xf32>
          %mul3A_150 = arith.mulf %sub3A_149, %get3A_63 : vector<16xf32>
          %sub3A_151 = arith.subf %get3A_51, %gather3A_94 : vector<16xf32>
          %mul3A_152 = arith.mulf %sub3A_151, %get3A_67 : vector<16xf32>
          %sub3A_153 = arith.subf %get3A_39, %gather3A_98 : vector<16xf32>
          %mul3A_154 = arith.mulf %sub3A_153, %get3A_55 : vector<16xf32>
          %sub3A_155 = arith.subf %get3A_43, %gather3A_99 : vector<16xf32>
          %mul3A_156 = arith.mulf %sub3A_155, %get3A_59 : vector<16xf32>
          %sub3A_157 = arith.subf %get3A_47, %gather3A_100 : vector<16xf32>
          %mul3A_158 = arith.mulf %sub3A_157, %get3A_63 : vector<16xf32>
          %sub3A_159 = arith.subf %get3A_51, %gather3A_101 : vector<16xf32>
          %mul3A_160 = arith.mulf %sub3A_159, %get3A_67 : vector<16xf32>
          %sub3A_161 = arith.subf %get3A_39, %gather3A_105 : vector<16xf32>
          %mul3A_162 = arith.mulf %sub3A_161, %get3A_55 : vector<16xf32>
          %sub3A_163 = arith.subf %get3A_43, %gather3A_106 : vector<16xf32>
          %mul3A_164 = arith.mulf %sub3A_163, %get3A_59 : vector<16xf32>
          %sub3A_165 = arith.subf %get3A_47, %gather3A_107 : vector<16xf32>
          %mul3A_166 = arith.mulf %sub3A_165, %get3A_63 : vector<16xf32>
          %sub3A_167 = arith.subf %get3A_51, %gather3A_108 : vector<16xf32>
          %mul3A_168 = arith.mulf %sub3A_167, %get3A_67 : vector<16xf32>
          %sub3A_169 = arith.subf %get3A_39, %gather3A_112 : vector<16xf32>
          %mul3A_170 = arith.mulf %sub3A_169, %get3A_55 : vector<16xf32>
          %sub3A_171 = arith.subf %get3A_43, %gather3A_113 : vector<16xf32>
          %mul3A_172 = arith.mulf %sub3A_171, %get3A_59 : vector<16xf32>
          %sub3A_173 = arith.subf %get3A_47, %gather3A_114 : vector<16xf32>
          %mul3A_174 = arith.mulf %sub3A_173, %get3A_63 : vector<16xf32>
          %sub3A_175 = arith.subf %get3A_51, %gather3A_115 : vector<16xf32>
          %mul3A_176 = arith.mulf %sub3A_175, %get3A_67 : vector<16xf32>
          %sub3A_177 = arith.subf %get3A_39, %gather3A_119 : vector<16xf32>
          %mul3A_178 = arith.mulf %sub3A_177, %get3A_55 : vector<16xf32>
          %sub3A_179 = arith.subf %get3A_43, %gather3A_120 : vector<16xf32>
          %mul3A_180 = arith.mulf %sub3A_179, %get3A_59 : vector<16xf32>
          %sub3A_181 = arith.subf %get3A_47, %gather3A_121 : vector<16xf32>
          %mul3A_182 = arith.mulf %sub3A_181, %get3A_63 : vector<16xf32>
          %sub3A_183 = arith.subf %get3A_51, %gather3A_122 : vector<16xf32>
          %mul3A_184 = arith.mulf %sub3A_183, %get3A_67 : vector<16xf32>
          %sub3A_185 = arith.subf %get3A_39, %gather3A_126 : vector<16xf32>
          %mul3A_186 = arith.mulf %sub3A_185, %get3A_55 : vector<16xf32>
          %sub3A_187 = arith.subf %get3A_43, %gather3A_127 : vector<16xf32>
          %mul3A_188 = arith.mulf %sub3A_187, %get3A_59 : vector<16xf32>
          %sub3A_189 = arith.subf %get3A_47, %gather3A_128 : vector<16xf32>
          %mul3A_190 = arith.mulf %sub3A_189, %get3A_63 : vector<16xf32>
          %sub3A_191 = arith.subf %get3A_51, %gather3A_129 : vector<16xf32>
          %mul3A_192 = arith.mulf %sub3A_191, %get3A_67 : vector<16xf32>
          %exp3A = math.exp %mul3A_130 : vector<16xf32>
          %add3A_193 = arith.constant 1.000000e+00 : f32
          %add3A_194 = vector.broadcast %add3A_193 : f32 to vector<16xf32>
          %add3A_195 = arith.addf %add3A_194, %exp3A : vector<16xf32>
          %exp3A_196 = math.exp %mul3A_132 : vector<16xf32>
          %add3A_197 = arith.constant 1.000000e+00 : f32
          %add3A_198 = vector.broadcast %add3A_197 : f32 to vector<16xf32>
          %add3A_199 = arith.addf %add3A_198, %exp3A_196 : vector<16xf32>
          %exp3A_200 = math.exp %mul3A_134 : vector<16xf32>
          %add3A_201 = arith.constant 1.000000e+00 : f32
          %add3A_202 = vector.broadcast %add3A_201 : f32 to vector<16xf32>
          %add3A_203 = arith.addf %add3A_202, %exp3A_200 : vector<16xf32>
          %exp3A_204 = math.exp %mul3A_136 : vector<16xf32>
          %add3A_205 = arith.constant 1.000000e+00 : f32
          %add3A_206 = vector.broadcast %add3A_205 : f32 to vector<16xf32>
          %add3A_207 = arith.addf %add3A_206, %exp3A_204 : vector<16xf32>
          %exp3A_208 = math.exp %mul3A_138 : vector<16xf32>
          %add3A_209 = arith.constant 1.000000e+00 : f32
          %add3A_210 = vector.broadcast %add3A_209 : f32 to vector<16xf32>
          %add3A_211 = arith.addf %add3A_210, %exp3A_208 : vector<16xf32>
          %exp3A_212 = math.exp %mul3A_140 : vector<16xf32>
          %add3A_213 = arith.constant 1.000000e+00 : f32
          %add3A_214 = vector.broadcast %add3A_213 : f32 to vector<16xf32>
          %add3A_215 = arith.addf %add3A_214, %exp3A_212 : vector<16xf32>
          %exp3A_216 = math.exp %mul3A_142 : vector<16xf32>
          %add3A_217 = arith.constant 1.000000e+00 : f32
          %add3A_218 = vector.broadcast %add3A_217 : f32 to vector<16xf32>
          %add3A_219 = arith.addf %add3A_218, %exp3A_216 : vector<16xf32>
          %exp3A_220 = math.exp %mul3A_144 : vector<16xf32>
          %add3A_221 = arith.constant 1.000000e+00 : f32
          %add3A_222 = vector.broadcast %add3A_221 : f32 to vector<16xf32>
          %add3A_223 = arith.addf %add3A_222, %exp3A_220 : vector<16xf32>
          %exp3A_224 = math.exp %mul3A_146 : vector<16xf32>
          %add3A_225 = arith.constant 1.000000e+00 : f32
          %add3A_226 = vector.broadcast %add3A_225 : f32 to vector<16xf32>
          %add3A_227 = arith.addf %add3A_226, %exp3A_224 : vector<16xf32>
          %exp3A_228 = math.exp %mul3A_148 : vector<16xf32>
          %add3A_229 = arith.constant 1.000000e+00 : f32
          %add3A_230 = vector.broadcast %add3A_229 : f32 to vector<16xf32>
          %add3A_231 = arith.addf %add3A_230, %exp3A_228 : vector<16xf32>
          %exp3A_232 = math.exp %mul3A_150 : vector<16xf32>
          %add3A_233 = arith.constant 1.000000e+00 : f32
          %add3A_234 = vector.broadcast %add3A_233 : f32 to vector<16xf32>
          %add3A_235 = arith.addf %add3A_234, %exp3A_232 : vector<16xf32>
          %exp3A_236 = math.exp %mul3A_152 : vector<16xf32>
          %add3A_237 = arith.constant 1.000000e+00 : f32
          %add3A_238 = vector.broadcast %add3A_237 : f32 to vector<16xf32>
          %add3A_239 = arith.addf %add3A_238, %exp3A_236 : vector<16xf32>
          %exp3A_240 = math.exp %mul3A_154 : vector<16xf32>
          %add3A_241 = arith.constant 1.000000e+00 : f32
          %add3A_242 = vector.broadcast %add3A_241 : f32 to vector<16xf32>
          %add3A_243 = arith.addf %add3A_242, %exp3A_240 : vector<16xf32>
          %exp3A_244 = math.exp %mul3A_156 : vector<16xf32>
          %add3A_245 = arith.constant 1.000000e+00 : f32
          %add3A_246 = vector.broadcast %add3A_245 : f32 to vector<16xf32>
          %add3A_247 = arith.addf %add3A_246, %exp3A_244 : vector<16xf32>
          %exp3A_248 = math.exp %mul3A_158 : vector<16xf32>
          %add3A_249 = arith.constant 1.000000e+00 : f32
          %add3A_250 = vector.broadcast %add3A_249 : f32 to vector<16xf32>
          %add3A_251 = arith.addf %add3A_250, %exp3A_248 : vector<16xf32>
          %exp3A_252 = math.exp %mul3A_160 : vector<16xf32>
          %add3A_253 = arith.constant 1.000000e+00 : f32
          %add3A_254 = vector.broadcast %add3A_253 : f32 to vector<16xf32>
          %add3A_255 = arith.addf %add3A_254, %exp3A_252 : vector<16xf32>
          %exp3A_256 = math.exp %mul3A_162 : vector<16xf32>
          %add3A_257 = arith.constant 1.000000e+00 : f32
          %add3A_258 = vector.broadcast %add3A_257 : f32 to vector<16xf32>
          %add3A_259 = arith.addf %add3A_258, %exp3A_256 : vector<16xf32>
          %exp3A_260 = math.exp %mul3A_164 : vector<16xf32>
          %add3A_261 = arith.constant 1.000000e+00 : f32
          %add3A_262 = vector.broadcast %add3A_261 : f32 to vector<16xf32>
          %add3A_263 = arith.addf %add3A_262, %exp3A_260 : vector<16xf32>
          %exp3A_264 = math.exp %mul3A_166 : vector<16xf32>
          %add3A_265 = arith.constant 1.000000e+00 : f32
          %add3A_266 = vector.broadcast %add3A_265 : f32 to vector<16xf32>
          %add3A_267 = arith.addf %add3A_266, %exp3A_264 : vector<16xf32>
          %exp3A_268 = math.exp %mul3A_168 : vector<16xf32>
          %add3A_269 = arith.constant 1.000000e+00 : f32
          %add3A_270 = vector.broadcast %add3A_269 : f32 to vector<16xf32>
          %add3A_271 = arith.addf %add3A_270, %exp3A_268 : vector<16xf32>
          %exp3A_272 = math.exp %mul3A_170 : vector<16xf32>
          %add3A_273 = arith.constant 1.000000e+00 : f32
          %add3A_274 = vector.broadcast %add3A_273 : f32 to vector<16xf32>
          %add3A_275 = arith.addf %add3A_274, %exp3A_272 : vector<16xf32>
          %exp3A_276 = math.exp %mul3A_172 : vector<16xf32>
          %add3A_277 = arith.constant 1.000000e+00 : f32
          %add3A_278 = vector.broadcast %add3A_277 : f32 to vector<16xf32>
          %add3A_279 = arith.addf %add3A_278, %exp3A_276 : vector<16xf32>
          %exp3A_280 = math.exp %mul3A_174 : vector<16xf32>
          %add3A_281 = arith.constant 1.000000e+00 : f32
          %add3A_282 = vector.broadcast %add3A_281 : f32 to vector<16xf32>
          %add3A_283 = arith.addf %add3A_282, %exp3A_280 : vector<16xf32>
          %exp3A_284 = math.exp %mul3A_176 : vector<16xf32>
          %add3A_285 = arith.constant 1.000000e+00 : f32
          %add3A_286 = vector.broadcast %add3A_285 : f32 to vector<16xf32>
          %add3A_287 = arith.addf %add3A_286, %exp3A_284 : vector<16xf32>
          %exp3A_288 = math.exp %mul3A_178 : vector<16xf32>
          %add3A_289 = arith.constant 1.000000e+00 : f32
          %add3A_290 = vector.broadcast %add3A_289 : f32 to vector<16xf32>
          %add3A_291 = arith.addf %add3A_290, %exp3A_288 : vector<16xf32>
          %exp3A_292 = math.exp %mul3A_180 : vector<16xf32>
          %add3A_293 = arith.constant 1.000000e+00 : f32
          %add3A_294 = vector.broadcast %add3A_293 : f32 to vector<16xf32>
          %add3A_295 = arith.addf %add3A_294, %exp3A_292 : vector<16xf32>
          %exp3A_296 = math.exp %mul3A_182 : vector<16xf32>
          %add3A_297 = arith.constant 1.000000e+00 : f32
          %add3A_298 = vector.broadcast %add3A_297 : f32 to vector<16xf32>
          %add3A_299 = arith.addf %add3A_298, %exp3A_296 : vector<16xf32>
          %exp3A_300 = math.exp %mul3A_184 : vector<16xf32>
          %add3A_301 = arith.constant 1.000000e+00 : f32
          %add3A_302 = vector.broadcast %add3A_301 : f32 to vector<16xf32>
          %add3A_303 = arith.addf %add3A_302, %exp3A_300 : vector<16xf32>
          %exp3A_304 = math.exp %mul3A_186 : vector<16xf32>
          %add3A_305 = arith.constant 1.000000e+00 : f32
          %add3A_306 = vector.broadcast %add3A_305 : f32 to vector<16xf32>
          %add3A_307 = arith.addf %add3A_306, %exp3A_304 : vector<16xf32>
          %exp3A_308 = math.exp %mul3A_188 : vector<16xf32>
          %add3A_309 = arith.constant 1.000000e+00 : f32
          %add3A_310 = vector.broadcast %add3A_309 : f32 to vector<16xf32>
          %add3A_311 = arith.addf %add3A_310, %exp3A_308 : vector<16xf32>
          %exp3A_312 = math.exp %mul3A_190 : vector<16xf32>
          %add3A_313 = arith.constant 1.000000e+00 : f32
          %add3A_314 = vector.broadcast %add3A_313 : f32 to vector<16xf32>
          %add3A_315 = arith.addf %add3A_314, %exp3A_312 : vector<16xf32>
          %exp3A_316 = math.exp %mul3A_192 : vector<16xf32>
          %add3A_317 = arith.constant 1.000000e+00 : f32
          %add3A_318 = vector.broadcast %add3A_317 : f32 to vector<16xf32>
          %add3A_319 = arith.addf %add3A_318, %exp3A_316 : vector<16xf32>
          %mul3A_320 = arith.mulf %add3A_195, %add3A_199 : vector<16xf32>
          %mul3A_321 = arith.mulf %add3A_203, %add3A_207 : vector<16xf32>
          %mul3A_322 = arith.mulf %mul3A_320, %mul3A_321 : vector<16xf32>
          %mul3A_323 = arith.mulf %add3A_211, %add3A_215 : vector<16xf32>
          %mul3A_324 = arith.mulf %add3A_219, %add3A_223 : vector<16xf32>
          %mul3A_325 = arith.mulf %mul3A_323, %mul3A_324 : vector<16xf32>
          %mul3A_326 = arith.mulf %add3A_227, %add3A_231 : vector<16xf32>
          %mul3A_327 = arith.mulf %add3A_235, %add3A_239 : vector<16xf32>
          %mul3A_328 = arith.mulf %mul3A_326, %mul3A_327 : vector<16xf32>
          %mul3A_329 = arith.mulf %add3A_243, %add3A_247 : vector<16xf32>
          %mul3A_330 = arith.mulf %add3A_251, %add3A_255 : vector<16xf32>
          %mul3A_331 = arith.mulf %mul3A_329, %mul3A_330 : vector<16xf32>
          %mul3A_332 = arith.mulf %add3A_259, %add3A_263 : vector<16xf32>
          %mul3A_333 = arith.mulf %add3A_267, %add3A_271 : vector<16xf32>
          %mul3A_334 = arith.mulf %mul3A_332, %mul3A_333 : vector<16xf32>
          %mul3A_335 = arith.mulf %add3A_275, %add3A_279 : vector<16xf32>
          %mul3A_336 = arith.mulf %add3A_283, %add3A_287 : vector<16xf32>
          %mul3A_337 = arith.mulf %mul3A_335, %mul3A_336 : vector<16xf32>
          %mul3A_338 = arith.mulf %add3A_291, %add3A_295 : vector<16xf32>
          %mul3A_339 = arith.mulf %add3A_299, %add3A_303 : vector<16xf32>
          %mul3A_340 = arith.mulf %mul3A_338, %mul3A_339 : vector<16xf32>
          %mul3A_341 = arith.mulf %add3A_307, %add3A_311 : vector<16xf32>
          %mul3A_342 = arith.mulf %add3A_315, %add3A_319 : vector<16xf32>
          %mul3A_343 = arith.mulf %mul3A_341, %mul3A_342 : vector<16xf32>
          %div3A = arith.constant 1.000000e+00 : f32
          %div3A_344 = vector.broadcast %div3A : f32 to vector<16xf32>
          %div3A_345 = arith.divf %div3A_344, %mul3A_322 : vector<16xf32>
          %div3A_346 = arith.constant 1.000000e+00 : f32
          %div3A_347 = vector.broadcast %div3A_346 : f32 to vector<16xf32>
          %div3A_348 = arith.divf %div3A_347, %mul3A_325 : vector<16xf32>
          %div3A_349 = arith.constant 1.000000e+00 : f32
          %div3A_350 = vector.broadcast %div3A_349 : f32 to vector<16xf32>
          %div3A_351 = arith.divf %div3A_350, %mul3A_328 : vector<16xf32>
          %div3A_352 = arith.constant 1.000000e+00 : f32
          %div3A_353 = vector.broadcast %div3A_352 : f32 to vector<16xf32>
          %div3A_354 = arith.divf %div3A_353, %mul3A_331 : vector<16xf32>
          %div3A_355 = arith.constant 1.000000e+00 : f32
          %div3A_356 = vector.broadcast %div3A_355 : f32 to vector<16xf32>
          %div3A_357 = arith.divf %div3A_356, %mul3A_334 : vector<16xf32>
          %div3A_358 = arith.constant 1.000000e+00 : f32
          %div3A_359 = vector.broadcast %div3A_358 : f32 to vector<16xf32>
          %div3A_360 = arith.divf %div3A_359, %mul3A_337 : vector<16xf32>
          %div3A_361 = arith.constant 1.000000e+00 : f32
          %div3A_362 = vector.broadcast %div3A_361 : f32 to vector<16xf32>
          %div3A_363 = arith.divf %div3A_362, %mul3A_340 : vector<16xf32>
          %div3A_364 = arith.constant 1.000000e+00 : f32
          %div3A_365 = vector.broadcast %div3A_364 : f32 to vector<16xf32>
          %div3A_366 = arith.divf %div3A_365, %mul3A_343 : vector<16xf32>
          %add3A_367 = arith.constant 0 : i32
          %add3A_368 = arith.addi %mul3A_75, %add3A_367 : i32
          %swap3A = arith.index_cast %add3A_368 : i32 to index
          %swap3A_369 = arith.index_cast %mul3A_20 : i32 to index
          %swap3A_370 = tpu.vector_load %arg11[%swap3A, %swap3A_369] {strides = array<i32>} : memref<16x1024xf32, #tpu.memory_space<vmem>>, vector<16xf32>,
          tpu.vector_store %arg11[%swap3A, %swap3A_369], %div3A_345 {strides = array<i32>} : memref<16x1024xf32, #tpu.memory_space<vmem>>, vector<16xf32>,
          %add3A_371 = arith.constant 1 : i32
          %add3A_372 = arith.addi %mul3A_75, %add3A_371 : i32
          %swap3A_373 = arith.index_cast %add3A_372 : i32 to index
          %swap3A_374 = arith.index_cast %mul3A_20 : i32 to index
          %swap3A_375 = tpu.vector_load %arg11[%swap3A_373, %swap3A_374] {strides = array<i32>} : memref<16x1024xf32, #tpu.memory_space<vmem>>, vector<16xf32>,
          tpu.vector_store %arg11[%swap3A_373, %swap3A_374], %div3A_348 {strides = array<i32>} : memref<16x1024xf32, #tpu.memory_space<vmem>>, vector<16xf32>,
          %add3A_376 = arith.constant 2 : i32
          %add3A_377 = arith.addi %mul3A_75, %add3A_376 : i32
          %swap3A_378 = arith.index_cast %add3A_377 : i32 to index
          %swap3A_379 = arith.index_cast %mul3A_20 : i32 to index
          %swap3A_380 = tpu.vector_load %arg11[%swap3A_378, %swap3A_379] {strides = array<i32>} : memref<16x1024xf32, #tpu.memory_space<vmem>>, vector<16xf32>,
          tpu.vector_store %arg11[%swap3A_378, %swap3A_379], %div3A_351 {strides = array<i32>} : memref<16x1024xf32, #tpu.memory_space<vmem>>, vector<16xf32>,
          %add3A_381 = arith.constant 3 : i32
          %add3A_382 = arith.addi %mul3A_75, %add3A_381 : i32
          %swap3A_383 = arith.index_cast %add3A_382 : i32 to index
          %swap3A_384 = arith.index_cast %mul3A_20 : i32 to index
          %swap3A_385 = tpu.vector_load %arg11[%swap3A_383, %swap3A_384] {strides = array<i32>} : memref<16x1024xf32, #tpu.memory_space<vmem>>, vector<16xf32>,
          tpu.vector_store %arg11[%swap3A_383, %swap3A_384], %div3A_354 {strides = array<i32>} : memref<16x1024xf32, #tpu.memory_space<vmem>>, vector<16xf32>,
          %add3A_386 = arith.constant 4 : i32
          %add3A_387 = arith.addi %mul3A_75, %add3A_386 : i32
          %swap3A_388 = arith.index_cast %add3A_387 : i32 to index
          %swap3A_389 = arith.index_cast %mul3A_20 : i32 to index
          %swap3A_390 = tpu.vector_load %arg11[%swap3A_388, %swap3A_389] {strides = array<i32>} : memref<16x1024xf32, #tpu.memory_space<vmem>>, vector<16xf32>,
          tpu.vector_store %arg11[%swap3A_388, %swap3A_389], %div3A_357 {strides = array<i32>} : memref<16x1024xf32, #tpu.memory_space<vmem>>, vector<16xf32>,
          %add3A_391 = arith.constant 5 : i32
          %add3A_392 = arith.addi %mul3A_75, %add3A_391 : i32
          %swap3A_393 = arith.index_cast %add3A_392 : i32 to index
          %swap3A_394 = arith.index_cast %mul3A_20 : i32 to index
          %swap3A_395 = tpu.vector_load %arg11[%swap3A_393, %swap3A_394] {strides = array<i32>} : memref<16x1024xf32, #tpu.memory_space<vmem>>, vector<16xf32>,
          tpu.vector_store %arg11[%swap3A_393, %swap3A_394], %div3A_360 {strides = array<i32>} : memref<16x1024xf32, #tpu.memory_space<vmem>>, vector<16xf32>,
          %add3A_396 = arith.constant 6 : i32
          %add3A_397 = arith.addi %mul3A_75, %add3A_396 : i32
          %swap3A_398 = arith.index_cast %add3A_397 : i32 to index
          %swap3A_399 = arith.index_cast %mul3A_20 : i32 to index
          %swap3A_400 = tpu.vector_load %arg11[%swap3A_398, %swap3A_399] {strides = array<i32>} : memref<16x1024xf32, #tpu.memory_space<vmem>>, vector<16xf32>,
          tpu.vector_store %arg11[%swap3A_398, %swap3A_399], %div3A_363 {strides = array<i32>} : memref<16x1024xf32, #tpu.memory_space<vmem>>, vector<16xf32>,
          %add3A_401 = arith.constant 7 : i32
          %add3A_402 = arith.addi %mul3A_75, %add3A_401 : i32
          %swap3A_403 = arith.index_cast %add3A_402 : i32 to index
          %swap3A_404 = arith.index_cast %mul3A_20 : i32 to index
          %swap3A_405 = tpu.vector_load %arg11[%swap3A_403, %swap3A_404] {strides = array<i32>} : memref<16x1024xf32, #tpu.memory_space<vmem>>, vector<16xf32>,
          tpu.vector_store %arg11[%swap3A_403, %swap3A_404], %div3A_366 {strides = array<i32>} : memref<16x1024xf32, #tpu.memory_space<vmem>>, vector<16xf32>,
        }
        %scan3A_72 = arith.constant 2 : i32
      }
      %scan3A_17 = arith.constant 64 : i32
      "tpu.region"() ({
        %run_scoped3A = tpu.sem_alloc : memref<!tpu.dma_semaphore, #tpu.memory_space<semaphore_mem>>
        %dma_start3A = arith.constant 0 : i32
        %dma_start3A_18 = tpu.memref_slice %arg6[%add3A_11, %dma_start3A] : memref<2048x1024xf32, #tpu.memory_space<hbm>> -> memref<16x1024xf32, #tpu.memory_space<hbm>>
        %dma_start3A_19 = arith.constant 0 : i32
        %dma_start3A_20 = tpu.memref_slice %arg6[%add3A_11, %dma_start3A_19] : memref<2048x1024xf32, #tpu.memory_space<hbm>> -> memref<16x1024xf32, #tpu.memory_space<hbm>>
        tpu.enqueue_dma source(%arg11 : memref<16x1024xf32, #tpu.memory_space<vmem>>) target(%dma_start3A_20 : memref<16x1024xf32, #tpu.memory_space<hbm>>) target_semaphore(%run_scoped3A : memref<!tpu.dma_semaphore, #tpu.memory_space<semaphore_mem>>)
        %dma_wait3A = arith.constant 0 : i32
        %dma_wait3A_21 = tpu.memref_slice %arg6[%add3A_11, %dma_wait3A] : memref<2048x1024xf32, #tpu.memory_space<hbm>> -> memref<16x1024xf32, #tpu.memory_space<hbm>>
        %dma_wait3A_22 = arith.constant 0 : i32
        %dma_wait3A_23 = tpu.memref_slice %arg6[%add3A_11, %dma_wait3A_22] : memref<2048x1024xf32, #tpu.memory_space<hbm>> -> memref<16x1024xf32, #tpu.memory_space<hbm>>
        tpu.wait_dma2 semaphore(%run_scoped3A : memref<!tpu.dma_semaphore, #tpu.memory_space<semaphore_mem>>) src(%arg11 : memref<16x1024xf32, #tpu.memory_space<vmem>>) dst(%dma_wait3A_23 : memref<16x1024xf32, #tpu.memory_space<hbm>>)
        tpu.yield
      }) : () -> ()
    }
    %scan3A_7 = arith.constant 4 : i32
    return
  }
}

module attributes {stable_mosaic.version = 14 : i64} {
  func.func @_tc_fused_body(%arg0: i32, %arg1: memref<1x1xf32, #tpu.memory_space<vmem>>, %arg2: memref<1024x1024xf32, #tpu.memory_space<vmem>>, %arg3: memref<960x1024xf32, #tpu.memory_space<vmem>>, %arg4: memref<1x960xf32, #tpu.memory_space<vmem>>, %arg5: memref<960x1024xf32, #tpu.memory_space<vmem>>, %arg6: memref<960x1024xf32, #tpu.memory_space<vmem>>, %arg7: memref<1024x1024xbf16, #tpu.memory_space<vmem>>, %arg8: memref<1024x1024xf32, #tpu.memory_space<vmem>>) attributes {dimension_semantics = [#tpu.dimension_semantics<arbitrary>], iteration_bounds = array<i64: 6>, scalar_prefetch = 0 : i64, scratch_operands = 0 : i64, tpu.core_type = #tpu.core_type<tc>, window_params = [{pipeline_mode = #tpu.pipeline_mode<synchronous>, transform_indices = @transform_0, window_bounds = array<i64: 1, 1>}, {transform_indices = @transform_1, window_bounds = array<i64: 1024, 1024>}, {pipeline_mode = #tpu.pipeline_mode<synchronous>, transform_indices = @transform_2, window_bounds = array<i64: 960, 1024>}, {pipeline_mode = #tpu.pipeline_mode<synchronous>, transform_indices = @transform_3, window_bounds = array<i64: 1, 960>}, {pipeline_mode = #tpu.pipeline_mode<synchronous>, transform_indices = @transform_4, window_bounds = array<i64: 960, 1024>}, {pipeline_mode = #tpu.pipeline_mode<synchronous>, transform_indices = @transform_5, window_bounds = array<i64: 960, 1024>}, {pipeline_mode = #tpu.pipeline_mode<synchronous>, transform_indices = @transform_6, window_bounds = array<i64: 1024, 1024>}, {transform_indices = @transform_7, window_bounds = array<i64: 1024, 1024>}]} {
    %get3A = arith.constant 0 : index
    %get3A_0 = arith.constant 0 : index
    %get3A_1 = vector.load %arg1[%get3A, %get3A_0] : memref<1x1xf32, #tpu.memory_space<vmem>>, vector<1x1xf32>
    %get3A_2 = vector.extract %get3A_1[0, 0] : f32 from vector<1x1xf32>
    %get3A_3 = arith.constant 0 : index
    %get3A_4 = arith.constant 0 : index
    %get3A_5 = vector.load %arg2[%get3A_3, %get3A_4] : memref<1024x1024xf32, #tpu.memory_space<vmem>>, vector<1024x1024xf32>
    %get3A_6 = arith.constant 0 : index
    %get3A_7 = arith.constant 0 : index
    %get3A_8 = vector.load %arg3[%get3A_6, %get3A_7] : memref<960x1024xf32, #tpu.memory_space<vmem>>, vector<960x1024xf32>
    %dot_general3A = arith.constant dense<0.000000e+00> : vector<1024x960xf32>
    %dot_general3A_9 = tpu.matmul %get3A_5, %get3A_8, %dot_general3A {dimension_numbers = #tpu.dot_dimension_numbers<[1], [1], [0], [0], [0, 0, 1, 0], [], []>, transpose_lhs_hint = false} : vector<1024x1024xf32>, vector<960x1024xf32>, vector<1024x960xf32> -> vector<1024x960xf32>
    %get3A_10 = arith.constant 0 : index
    %get3A_11 = arith.constant 0 : index
    %get3A_12 = vector.load %arg4[%get3A_10, %get3A_11] : memref<1x960xf32, #tpu.memory_space<vmem>>, vector<1x960xf32>
    %get3A_13 = vector.shape_cast %get3A_12 : vector<1x960xf32> to vector<960xf32>
    %broadcast_in_dim3A = vector.shape_cast %get3A_13 : vector<960xf32> to vector<1x960xf32>
    %sub3A = vector.broadcast %broadcast_in_dim3A : vector<1x960xf32> to vector<1024x960xf32>
    %sub3A_14 = arith.subf %dot_general3A_9, %sub3A : vector<1024x960xf32>
    %mul3A = vector.broadcast %get3A_2 : f32 to vector<1024x960xf32>
    %mul3A_15 = arith.mulf %sub3A_14, %mul3A : vector<1024x960xf32>
    %logistic3A = arith.negf %mul3A_15 : vector<1024x960xf32>
    %logistic3A_16 = math.exp %logistic3A : vector<1024x960xf32>
    %logistic3A_17 = arith.constant 1.000000e+00 : f32
    %logistic3A_18 = vector.broadcast %logistic3A_17 : f32 to vector<1024x960xf32>
    %logistic3A_19 = arith.addf %logistic3A_18, %logistic3A_16 : vector<1024x960xf32>
    %logistic3A_20 = arith.divf %logistic3A_18, %logistic3A_19 : vector<1024x960xf32>
    %add3A = arith.constant 9.99999993E-9 : f32
    %add3A_21 = vector.broadcast %add3A : f32 to vector<1024x960xf32>
    %add3A_22 = arith.addf %logistic3A_20, %add3A_21 : vector<1024x960xf32>
    %log3A = math.log %add3A_22 : vector<1024x960xf32>
    %sub3A_23 = arith.constant 1.000000e+00 : f32
    %sub3A_24 = vector.broadcast %sub3A_23 : f32 to vector<1024x960xf32>
    %sub3A_25 = arith.subf %sub3A_24, %logistic3A_20 : vector<1024x960xf32>
    %add3A_26 = arith.constant 9.99999993E-9 : f32
    %add3A_27 = vector.broadcast %add3A_26 : f32 to vector<1024x960xf32>
    %add3A_28 = arith.addf %sub3A_25, %add3A_27 : vector<1024x960xf32>
    %log3A_29 = math.log %add3A_28 : vector<1024x960xf32>
    %get3A_30 = arith.constant 0 : index
    %get3A_31 = arith.constant 0 : index
    %get3A_32 = vector.load %arg5[%get3A_30, %get3A_31] : memref<960x1024xf32, #tpu.memory_space<vmem>>, vector<960x1024xf32>
    %dot_general3A_33 = arith.constant dense<0.000000e+00> : vector<1024x1024xf32>
    %dot_general3A_34 = tpu.matmul %log3A, %get3A_32, %dot_general3A_33 {dimension_numbers = #tpu.dot_dimension_numbers<[1], [0], [0], [1], [0, 0, 1, 1], [], []>, transpose_lhs_hint = false} : vector<1024x960xf32>, vector<960x1024xf32>, vector<1024x1024xf32> -> vector<1024x1024xf32>
    %get3A_35 = arith.constant 0 : index
    %get3A_36 = arith.constant 0 : index
    %get3A_37 = vector.load %arg6[%get3A_35, %get3A_36] : memref<960x1024xf32, #tpu.memory_space<vmem>>, vector<960x1024xf32>
    %dot_general3A_38 = arith.constant dense<0.000000e+00> : vector<1024x1024xf32>
    %dot_general3A_39 = tpu.matmul %log3A_29, %get3A_37, %dot_general3A_38 {dimension_numbers = #tpu.dot_dimension_numbers<[1], [0], [0], [1], [0, 0, 1, 1], [], []>, transpose_lhs_hint = false} : vector<1024x960xf32>, vector<960x1024xf32>, vector<1024x1024xf32> -> vector<1024x1024xf32>
    %add3A_40 = arith.addf %dot_general3A_34, %dot_general3A_39 : vector<1024x1024xf32>
    %exp3A = math.exp %add3A_40 : vector<1024x1024xf32>
    %convert_element_type3A = arith.truncf %exp3A : vector<1024x1024xf32> to vector<1024x1024xbf16>
    %get3A_41 = arith.constant 0 : index
    %get3A_42 = arith.constant 0 : index
    %get3A_43 = vector.load %arg7[%get3A_41, %get3A_42] : memref<1024x1024xbf16, #tpu.memory_space<vmem>>, vector<1024x1024xbf16>
    %dot_general3A_44 = arith.constant dense<0.000000e+00> : vector<1024x1024xf32>
    %dot_general3A_45 = tpu.matmul %convert_element_type3A, %get3A_43, %dot_general3A_44 {dimension_numbers = #tpu.dot_dimension_numbers<[1], [1], [0], [0], [0, 0, 1, 0], [], []>, transpose_lhs_hint = false} : vector<1024x1024xbf16>, vector<1024x1024xbf16>, vector<1024x1024xf32> -> vector<1024x1024xf32>
    %swap3A = arith.constant 0 : index
    %swap3A_46 = arith.constant 0 : index
    %swap3A_47 = vector.load %arg8[%swap3A, %swap3A_46] : memref<1024x1024xf32, #tpu.memory_space<vmem>>, vector<1024x1024xf32>
    tpu.vector_store %arg8[%swap3A, %swap3A_46], %dot_general3A_45 {strides = array<i32>} : memref<1024x1024xf32, #tpu.memory_space<vmem>>, vector<1024x1024xf32>,
    return
  }
  func.func @transform_0(%arg0: i32) -> (i32, i32) {
    %c0_i32 = arith.constant 0 : i32
    %c0_i32_0 = arith.constant 0 : i32
    %c0_i32_1 = arith.constant 0 : i32
    return %c0_i32, %c0_i32_0 : i32, i32
  }
  func.func @transform_1(%arg0: i32) -> (i32, i32) {
    %add3A = arith.constant 2 : i32
    %add3A_0 = arith.addi %arg0, %add3A : i32
    %c0_i32 = arith.constant 0 : i32
    %c0_i32_1 = arith.constant 0 : i32
    return %add3A_0, %c0_i32 : i32, i32
  }
  func.func @transform_2(%arg0: i32) -> (i32, i32) {
    %c0_i32 = arith.constant 0 : i32
    %c0_i32_0 = arith.constant 0 : i32
    %c0_i32_1 = arith.constant 0 : i32
    return %c0_i32, %c0_i32_0 : i32, i32
  }
  func.func @transform_3(%arg0: i32) -> (i32, i32) {
    %c0_i32 = arith.constant 0 : i32
    %c0_i32_0 = arith.constant 0 : i32
    %c0_i32_1 = arith.constant 0 : i32
    return %c0_i32, %c0_i32_0 : i32, i32
  }
  func.func @transform_4(%arg0: i32) -> (i32, i32) {
    %c0_i32 = arith.constant 0 : i32
    %c0_i32_0 = arith.constant 0 : i32
    %c0_i32_1 = arith.constant 0 : i32
    return %c0_i32, %c0_i32_0 : i32, i32
  }
  func.func @transform_5(%arg0: i32) -> (i32, i32) {
    %c0_i32 = arith.constant 0 : i32
    %c0_i32_0 = arith.constant 0 : i32
    %c0_i32_1 = arith.constant 0 : i32
    return %c0_i32, %c0_i32_0 : i32, i32
  }
  func.func @transform_6(%arg0: i32) -> (i32, i32) {
    %c0_i32 = arith.constant 0 : i32
    %c0_i32_0 = arith.constant 0 : i32
    %c0_i32_1 = arith.constant 0 : i32
    return %c0_i32, %c0_i32_0 : i32, i32
  }
  func.func @transform_7(%arg0: i32) -> (i32, i32) {
    %add3A = arith.constant 2 : i32
    %add3A_0 = arith.addi %arg0, %add3A : i32
    %c0_i32 = arith.constant 0 : i32
    %c0_i32_1 = arith.constant 0 : i32
    return %add3A_0, %c0_i32 : i32, i32
  }
}

module attributes {stable_mosaic.version = 14 : i64} {
  func.func @_tc_decode_body(%arg0: i32, %arg1: memref<1024x1024xf32, #tpu.memory_space<vmem>>, %arg2: memref<1024x1024xbf16, #tpu.memory_space<vmem>>, %arg3: memref<8192x1024xf32, #tpu.memory_space<any>>, %arg4: memref<1024x1024xf32, #tpu.memory_space<vmem>>) attributes {dimension_semantics = [#tpu.dimension_semantics<arbitrary>], iteration_bounds = array<i64: 2>, scalar_prefetch = 0 : i64, scratch_operands = 0 : i64, tpu.core_type = #tpu.core_type<tc>, window_params = [{transform_indices = @transform_0, window_bounds = array<i64: 1024, 1024>}, {pipeline_mode = #tpu.pipeline_mode<synchronous>, transform_indices = @transform_1, window_bounds = array<i64: 1024, 1024>}, {}, {transform_indices = @transform_3, window_bounds = array<i64: 1024, 1024>}]} {
    %get3A = arith.constant 0 : index
    %get3A_0 = arith.constant 0 : index
    %get3A_1 = vector.load %arg1[%get3A, %get3A_0] : memref<1024x1024xf32, #tpu.memory_space<vmem>>, vector<1024x1024xf32>
    %convert_element_type3A = arith.truncf %get3A_1 : vector<1024x1024xf32> to vector<1024x1024xbf16>
    %get3A_2 = arith.constant 0 : index
    %get3A_3 = arith.constant 0 : index
    %get3A_4 = vector.load %arg2[%get3A_2, %get3A_3] : memref<1024x1024xbf16, #tpu.memory_space<vmem>>, vector<1024x1024xbf16>
    %dot_general3A = arith.constant dense<0.000000e+00> : vector<1024x1024xf32>
    %dot_general3A_5 = tpu.matmul %convert_element_type3A, %get3A_4, %dot_general3A {dimension_numbers = #tpu.dot_dimension_numbers<[1], [1], [0], [0], [0, 0, 1, 0], [], []>, transpose_lhs_hint = false} : vector<1024x1024xbf16>, vector<1024x1024xbf16>, vector<1024x1024xf32> -> vector<1024x1024xf32>
    %swap3A = arith.constant 0 : index
    %swap3A_6 = arith.constant 0 : index
    %swap3A_7 = vector.load %arg4[%swap3A, %swap3A_6] : memref<1024x1024xf32, #tpu.memory_space<vmem>>, vector<1024x1024xf32>
    tpu.vector_store %arg4[%swap3A, %swap3A_6], %dot_general3A_5 {strides = array<i32>} : memref<1024x1024xf32, #tpu.memory_space<vmem>>, vector<1024x1024xf32>,
    return
  }
  func.func @transform_0(%arg0: i32) -> (i32, i32) {
    %c0_i32 = arith.constant 0 : i32
    %c0_i32_0 = arith.constant 0 : i32
    return %arg0, %c0_i32 : i32, i32
  }
  func.func @transform_1(%arg0: i32) -> (i32, i32) {
    %c0_i32 = arith.constant 0 : i32
    %c0_i32_0 = arith.constant 0 : i32
    %c0_i32_1 = arith.constant 0 : i32
    return %c0_i32, %c0_i32_0 : i32, i32
  }
  func.func @transform_3(%arg0: i32) -> (i32, i32) {
    %c0_i32 = arith.constant 0 : i32
    %c0_i32_0 = arith.constant 0 : i32
    return %arg0, %c0_i32 : i32, i32
  }
}

</mosaic_0001>

<sc_bundles>
// kernel: kernel.5.cloned.1.call-start
scs
__scs_entry_jumppad:
0x0: {  	(pc) =	sbr.rel $0x88, $3  }
0x1: {  	(tag) =	ssettag $0x0;
	lr =	simm.s32 $0x1  }
0x2: {  	[smem:$0x3F9B] =	sst lr;
	_ =	strace $0xD0000000  }
0x3: {  	_ = 	snop  }
0x4: {  	_ = 	snop  }
0x5: {  	_ = 	snop  }
0x6: {  	_ = 	snop  }
0x7: {  	_ = 	snop  }
__scs_overlays_trampoline_lowered:
0x8: {  	[smem:$0x3FAA] =	sst s0  }
0x9: {  	[smem:$0x3FAB] =	sst s1  }
0xa: {  	[smem:$0x3FAC] =	sst s2  }
0xb: {  	[smem:$0x3FAD] =	sst s3  }
0xc: {  	[smem:$0x3FAE] =	sst s4  }
0xd: {  	[smem:$0x3FAF] =	sst s5  }
0xe: {  	[smem:$0x3FB0] =	sst s6  }
0xf: {  	[smem:$0x3FB1] =	sst s7  }
0x10: {  	[smem:$0x3FB2] =	sst s8  }
0x11: {  	[smem:$0x3FB3] =	sst s9;
	s0 =	simm.s32 @!p0 $0x0  }
0x12: {  	s1 =	sld [smem:$0x3F99];
	s0 =	simm.s32 @p0 $0x1  }
0x13: {  	[smem:$0x3FB4] =	sst s0;
	s0 =	simm.s32 @!p1 $0x0  }
0x14: {  	s2 =	sld [smem:$0x3F98];
	s0 =	simm.s32 @p1 $0x1  }
0x15: {  	[smem:$0x3FB5] =	sst s0;
	s0 =	simm.s32 @!p2 $0x0  }
0x16: {  	s3 =	sld [smem:$0x3FDB];
	s0 =	simm.s32 @p2 $0x1  }
0x17: {  	s4 =	simm.s32 $0x1BF5;
	[smem:$0x3FB7] =	sst s0  }
0x18: {  	s0 =	sld [smem:$0x3F9A];
	_ =	swait.ge [sflag:s4], $0x0  }
0x19: {  	s7 =	sld [smem:$0x3F9B]  }
0x1a: {  	s8 =	sadd.s32 $0xFFFFE003, lr  }
0x1b: {  	s9 =	sadd.s32 $0xFFFFFEF7, lr;
	s5 =	simm.s32 $0xFFFFFFFF;
	p2 =	slt.u32 s8, $0xFFFFF086  }
0x1c: {  	p1 =	slt.u32 s9, $0xF7A;
	s5 =	simm.s32 @!p2 $0x0  }
0x1d: {  	s5 =	simm.s32 @p1 $0x1;
	p0 =	seq.s32 s7, s2  }
0x1e: {  	s7 =	smul.u32 @!p0 $0xF7A, s2;
	p2 =	seq.s32 @!p0 s5, $0x0  }
0x1f: {  	s9 =	smul.u32 $0xF7A, s1;
	s8 =	simm.s32 @!p0 $0x1BF5;
	p2 =	por !p2, p0  }
0x20: {  	[sflag:s8] =	ssyncset.s32 @!p0 $0xFFFFF086;
	s6 =	sadd.s32 @!p0 s3, s7;
	s7 =	simm.s32 @!p0 $0x108  }
0x21: {  	s3 =	sadd.s32 s3, s9;
	s6 =	sadd.s32 @!p0 $0x88, s6;
	s7 =	simm.s32 @p2 $0x1082  }
0x22: {  	[simem:s7], [sflag:s8] =	dma.local @!p0 [hbm:s6], $0xF7A  }
0x23: {  	s9 =	sor.u32 $0xD0000000, s2;
	s6 =	simm.s32 $0x108;
	_ =	swait.ge @!p0 [sflag:s8], $0x0  }
0x24: {  	s3 =	sadd.s32 $0x88, s3;
	s6 =	simm.s32 @!p1 $0x1082;
	[sflag:s4] =	ssyncset.s32 $0xFFFFF086  }
0x25: {  	[simem:s6], [sflag:s4] =	dma.local [hbm:s3], $0xF7A  }
0x26: {  	[smem:$0x3F9B] =	sst s1;
	(tag) =	ssettag s2;
	_ =	strace s9  }
0x27: {  	s1 =	sld [smem:$0x3FAB]  }
0x28: {  	s2 =	sld [smem:$0x3FAC]  }
0x29: {  	s4 =	sld [smem:$0x3FAE]  }
0x2a: {  	p0 =	seq.s32 s5, $0x0;
	s5 =	sld [smem:$0x3FAF]  }
0x2b: {  	s6 =	sld [smem:$0x3FB0]  }
0x2c: {  	s7 =	sld [smem:$0x3FB1]  }
0x2d: {  	s3 =	simm.s32 $0x108;
	s8 =	sld [smem:$0x3FB2]  }
0x2e: {  	s3 =	simm.s32 @!p0 $0x1082;
	s9 =	sld [smem:$0x3FB3]  }
0x2f: {  	lr =	sadd.s32 s0, s3;
	s0 =	sld [smem:$0x3FAA]  }
0x30: {  	s3 =	sld [smem:$0x3FAD]  }
0x31: {  	[smem:$0x3FB6] =	sst s10  }
0x32: {  	s10 =	sld [smem:$0x3FB4];
	_ =	sdelay $0x3  }
0x33: {  	p0 =	seq.s32 s10, $0x1;
	s10 =	sld [smem:$0x3FB6];
	_ =	sdelay $0x3  }
0x34: {  	[smem:$0x3FB6] =	sst s10  }
0x35: {  	s10 =	sld [smem:$0x3FB5];
	_ =	sdelay $0x3  }
0x36: {  	p1 =	seq.s32 s10, $0x1;
	s10 =	sld [smem:$0x3FB6];
	_ =	sdelay $0x3  }
0x37: {  	[smem:$0x3FB6] =	sst s10  }
0x38: {  	s10 =	sld [smem:$0x3FB7]  }
0x39: {  	_ = 	snop;
	(pc) =	sbr.ind lr, $3  }
0x3a: {  	_ = 	snop  }
0x3b: {  	_ = 	snop  }
0x3c: {  	p2 =	seq.s32 s10, $0x1;
	s10 =	sld [smem:$0x3FB6]  }
0x3d: {  	_ =	shalt  }
0x3e: {  	_ =	shalt  }
0x3f: {  	_ =	shalt  }
0x40: {  	_ =	shalt  }
0x41: {  	_ =	shalt  }
0x42: {  	_ =	shalt  }
0x43: {  	_ =	shalt  }
0x44: {  	_ =	shalt  }
0x45: {  	_ =	shalt  }
0x46: {  	_ =	shalt  }
0x47: {  	_ =	shalt  }
0x48: {  	_ =	shalt  }
0x49: {  	_ =	shalt  }
0x4a: {  	_ =	shalt  }
0x4b: {  	_ =	shalt  }
0x4c: {  	_ =	shalt  }
0x4d: {  	_ =	shalt  }
0x4e: {  	_ =	shalt  }
0x4f: {  	_ =	shalt  }
0x50: {  	_ =	shalt  }
0x51: {  	_ =	shalt  }
0x52: {  	_ =	shalt  }
0x53: {  	_ =	shalt  }
0x54: {  	_ =	shalt  }
0x55: {  	_ =	shalt  }
0x56: {  	_ =	shalt  }
0x57: {  	_ =	shalt  }
0x58: {  	_ =	shalt  }
0x59: {  	_ =	shalt  }
0x5a: {  	_ =	shalt  }
0x5b: {  	_ =	shalt  }
0x5c: {  	_ =	shalt  }
0x5d: {  	_ =	shalt  }
0x5e: {  	_ =	shalt  }
0x5f: {  	_ =	shalt  }
0x60: {  	_ =	shalt  }
0x61: {  	_ =	shalt  }
0x62: {  	_ =	shalt  }
0x63: {  	_ =	shalt  }
0x64: {  	_ =	shalt  }
0x65: {  	_ =	shalt  }
0x66: {  	_ =	shalt  }
0x67: {  	_ =	shalt  }
0x68: {  	_ =	shalt  }
0x69: {  	_ =	shalt  }
0x6a: {  	_ =	shalt  }
0x6b: {  	_ =	shalt  }
0x6c: {  	_ =	shalt  }
0x6d: {  	_ =	shalt  }
0x6e: {  	_ =	shalt  }
0x6f: {  	_ =	shalt  }
0x70: {  	_ =	shalt  }
0x71: {  	_ =	shalt  }
0x72: {  	_ =	shalt  }
0x73: {  	_ =	shalt  }
0x74: {  	_ =	shalt  }
0x75: {  	_ =	shalt  }
0x76: {  	_ =	shalt  }
0x77: {  	_ =	shalt  }
0x78: {  	_ =	shalt  }
0x79: {  	_ =	shalt  }
0x7a: {  	_ =	shalt  }
0x7b: {  	_ =	shalt  }
0x7c: {  	_ =	shalt  }
0x7d: {  	_ =	shalt  }
0x7e: {  	_ =	shalt  }
0x7f: {  	_ =	shalt  }
0x80: {  	_ =	shalt  }
0x81: {  	_ =	shalt  }
0x82: {  	_ =	shalt  }
0x83: {  	_ =	shalt  }
0x84: {  	_ =	shalt  }
0x85: {  	_ =	shalt  }
0x86: {  	_ =	shalt  }
0x87: {  	_ =	shalt  }
.Lfunc_end0:
.L_simem_size_0:
called_computation_lowered:
.L_overlay_start_0:
0x88: {  	s2 =	sld [smem:$0x3FD9]  }
0x89: {  	s3 =	sld [smem:$0x3FFE];
	_ =	sdelay $0x1  }
0x8a: {  	s1 =	srdreg.scid  }
0x8b: {  	s0 =	sand.u32 $0x1, s1  }
0x8c: {  	s17 =	sshll.u32 s0, $0xA;
	s2 =	sadd.s32 s3, s2  }
0x8d: {  	s2 =	sadd.s32 s2, s17  }
0x8e: {  	[smem:$0x3FC2] =	sst s2  }
0x8f: {  	_ = 	snop  }
0x90: {  	s2 =	sld [smem:$0x3FC9];
	(tm) =	ssettm $0x1  }
0x91: {  	s18 =	sld [smem:$0x3FFB];
	_ =	sdelay $0x3  }
0x92: {  	_ =	strace s18  }
0x93: {  	s3 =	sld [smem:$0x3FFC];
	_ =	sdelay $0x3  }
0x94: {  	_ =	strace s3  }
0x95: {  	s3 =	sld [smem:$0x3FFD];
	_ =	sdelay $0x3  }
0x96: {  	_ =	strace s3  }
0x97: {  	_ =	strace $0x8FFFFFFF  }
0x98: {  	s19 =	sld [smem:$0x3FDB];
	_ =	sdelay $0x1  }
0x99: {  	s4 =	simm.s32 $_scs_section_size  }
0x9a: {  	s5 =	simm.s32 $_size__tile_overlayer_lowered;
	s6 =	simm.s32 $_tile_overlayer_lowered  }
0x9b: {  	s22 =	simm.s32 $0x1BFF;
	s21 =	sshll.u32 s6, $0x1;
	s3 =	sadd.s32 s4, s19  }
0x9c: {  	s7 =	simm.s32 $0x0;
	s20 =	sshll.u32 s5, $0x1;
	s5 =	sadd.s32 s21, s3  }
0x9d: {  	[timem:s7], [sflag:s22] =	dma.local [hbm:s5], s20  }
0x9e: {  	_ =	swait.ge [sflag:s22], s20  }
0x9f: {  	s4 =	ssub.s32 $0x0, s20;
	[sflag:s22] =	ssyncset.done $0x0  }
0xa0: {  	[sflag:s22] =	ssyncadd.s32 s4;
	_ =	sdelay $0x1  }
0xa1: {  	s23 =	simm.s32 $0x1B8B  }
0xa2: {  	_ =	swait.ge [sflag:s23], $0x1  }
0xa3: {  	[sflag:s23] =	ssyncset.done $0x0  }
0xa4: {  	s25 =	simm.s32 $0x1B8E;
	s24 =	sld [smem:$0x3FFE];
	[sflag:s23] =	ssyncadd.s32 $0xFFFFFFFF  }
0xa5: {  	s26 =	simm.s32 $execute0_lowered;
	[smem:$0x3FD2] =	sst s25  }
0xa6: {  	s5 =	sshll.u32 s26, $0x1;
	_ =	strace $0x80000046;
	[dreg:$0x1] =	wrdreg $0xFFFFFFFF  }
0xa7: {  	s28 =	simm.s32 $_size_execute0_lowered;
	s3 =	sadd.s32 s3, s5;
	[dreg:$0x0] =	wrdreg $0x0  }
0xa8: {  	s5 =	sshll.u32 s28, $0x1;
	[dreg:$0x2] =	wrdreg s3  }
0xa9: {  	[dreg:$0x3] =	wrdreg s5  }
0xaa: {  	[dreg:$0x4] =	wrdreg $0xC0  }
0xab: {  	_ =	task [dreg:s7], $0x5FFFF  }
0xac: {  	[dreg:$0x1] =	wrdreg $0xFFFFFFFF  }
0xad: {  	[dreg:$0x0] =	wrdreg $0x60  }
0xae: {  	[dreg:$0x2] =	wrdreg s2  }
0xaf: {  	[dreg:$0x3] =	wrdreg s24  }
0xb0: {  	[dreg:$0x4] =	wrdreg $0x9  }
0xb1: {  	_ =	task.clear_ibuf [dreg:s7], $0x5FFFF;
	_ =	strace $0x90000046  }
0xb2: {  	s29 =	simm.s32 $0x9;
	_ =	strace $0x80000048  }
0xb3: {  	_ =	swait.ge [sflag:s29], $0x1  }
0xb4: {  	[sflag:s29] =	ssyncadd.s32 $0xFFFFFFFF  }
0xb5: {  	_ =	strace $0x90000048  }
0xb6: {  	_ =	sfence  }
0xb7: {  	s30 =	sld [smem:$0x0];
	_ =	sdelay $0x2  }
0xb8: {  	s31 =	sshll.u32 s1, $0xD;
	s1 =	sshrl.u32 s1, $0x2  }
0xb9: {  	s3 =	sand.u32 $0x4000, s31;
	s1 =	sadd.s32 s1, s30  }
0xba: {  	s0 =	sor.u32 s3, s0;
	s1 =	sshll.u32 s1, $0x11  }
0xbb: {  	s0 =	sor.u32 s1, s0  }
0xbc: {  	s0 =	sadd.s32 $0x8F2B, s0  }
0xbd: {  	[sflag:s0] =	ssyncadd.remote.s32 $0x1  }
0xbe: {  	_ =	sfence.sel $0xFFFF  }
0xbf: {  	[dreg:$0x0] =	wrdreg $0xFFFFFFFF;
	(pc) =	sbr.abs _section_cstart, $3  }
0xc0: {  	[dreg:$0x1] =	wrdreg $0xFFFFFFFF  }
0xc1: {  	_ =	task.clear_ibuf [dreg:s7], $0x2FFFF;
	_ =	strace $0x9FFFFFFF  }
0xc2: {  	(tm) =	ssettm $0x7FFFFFFF  }
0xc3: {  	_ =	shalt  }
tec
execute0_lowered:
.L_overlay_start_1:
0x0: {  	(tag) =	ssettag $0x1  }
0x1: {  	s1 =	rddreg [dreg:$0x0]  }
0x2: {  	s7 =	rddreg [dreg:$0x1]  }
0x3: {  	s0 =	rddreg [dreg:$0x2];
	s2 =	simm.s32 $0x0;
	s3 =	srdreg.scid  }
0x4: {  	s11 =	simm.s32 $0x1000;
	s12 =	simm.s32 $0x2000;
	s13 =	simm.s32 $0x3000  }
0x5: {  	s14 =	simm.s32 $0x7000;
	s15 =	simm.s32 $0x0;
	[smem:$0x7FF] =	sst s2  }
0x6: {  	s8 =	sand.u32 $0x1, s3;
	s4 =	sadd.s32 $0x1400, s7;
	s5 =	sadd.s32 $0x1600, s7  }
0x7: {  	s6 =	sadd.s32 $0x1A00, s7;
	s3 =	stileid.u32;
	s9 =	ssub.s32 $0x2, s8  }
0x8: {  	s7 =	sadd.s32 $0x1C00, s7;
	_ =	strace $0x80000047;
	s10 =	sshrl.u32 s9, $0x1  }
0x9: {  	s31 =	sshll.u32 s3, $0xE;
	s8 =	sshll.u32 s8, $0xD;
	s9 =	ssub.s32 s9, s10  }
0xa: {  	s8 =	sor.u32 s8, s31;
	s10 =	simm.s32 $0x1;
	s9 =	smax.u32 s9, $0x1  }
.LBB2_1:
0xb: {  	[tilespmem:s2], [sflag:$0x1] =	stream.linear.gather [hbm4b:s4+s2], $0x1000, $0x38;
	[tilespmem:$0xB000] =	vst v63  }
0xc: {  	_ =	swait.ge [sflag:s10], $0x1000  }
0xd: {  	[sflag:s10] =	ssyncset.done $0x0  }
0xe: {  	[sflag:s10] =	ssyncadd.s32 $0xFFFFF000  }
0xf: {  	[tilespmem:s11], [sflag:$0x1] =	stream.linear.gather [hbm4b:s5+s2], $0x1000, $0x38;
	[tilespmem:$0xB000] =	vst v63  }
0x10: {  	_ =	swait.ge [sflag:s10], $0x1000  }
0x11: {  	[sflag:s10] =	ssyncset.done $0x0  }
0x12: {  	[sflag:s10] =	ssyncadd.s32 $0xFFFFF000  }
0x13: {  	[tilespmem:s12], [sflag:$0x1] =	stream.linear.gather [hbm4b:s6+s2], $0x1000, $0x38;
	[tilespmem:$0xB000] =	vst v63  }
0x14: {  	_ =	swait.ge [sflag:s10], $0x1000  }
0x15: {  	[sflag:s10] =	ssyncset.done $0x0  }
0x16: {  	s16 =	simm.s32 $0x0;
	[sflag:s10] =	ssyncadd.s32 $0xFFFFF000  }
.LBB2_2:
0x17: {  	s17 =	sshll.u32 s16, $0xB  }
0x18: {  	s17 =	sadd.s32 s8, s17  }
0x19: {  	s18 =	simm.s32 $0x0;
	s19 =	sadd.s32 s1, s17  }
0x1a: {  	[tilespmem:s13], [sflag:$0x1] =	stream.linear.gather [hbm4b:s19+s18], $0x4000, $0x38;
	[tilespmem:$0xB000] =	vst v63  }
0x1b: {  	_ =	swait.ge [sflag:s10], $0x4000  }
0x1c: {  	[sflag:s10] =	ssyncset.done $0x0  }
0x1d: {  	[sflag:s10] =	ssyncadd.s32 $0xFFFFC000  }
.LBB2_3:
0x1e: {  	s19 =	sshll.u32 s18, $0x4;
	s20 =	sshll.u32 s18, $0x6  }
0x1f: {  	s19 =	sand.u32 $0x70, s19;
	s20 =	sand.u32 $0xFFFFFE00, s20  }
0x20: {  	s20 =	sor.u32 s19, s20  }
0x21: {  	v0 =	vld [tilespmem:s20+$0x0]  }
0x22: {  	v6 =	vld [tilespmem:s20+$0x80]  }
0x23: {  	s21 =	sshll.u32 s18, $0x7;
	v10 =	vld [tilespmem:s20+$0x180]  }
0x24: {  	s21 =	sand.u32 $0x3FFFFC00, s21  }
0x25: {  	s19 =	sor.u32 s19, s21  }
0x26: {  	v9 =	vld [tilespmem:s20+$0x100];
	s19 =	sadd.s32 $0x7000, s19  }
0x27: {  	v40 =	vmov s19;
	v1 =	vshll.u32 v0, $0x3;
	v0 =	vand.u32 $0x7F, v0  }
0x28: {  	v7 =	vshll.u32 v6, $0x3;
	v8 =	vand.u32 $0x7F, v6;
	v12 =	vshll.u32 v10, $0x3  }
0x29: {  	v14 =	vand.u32 $0x7F, v10;
	v1 =	vand.u32 $0xFFFFFC00, v1;
	v11 =	vand.u32 $0xFFFFFC00, v7  }
0x2a: {  	v12 =	vand.u32 $0xFFFFFC00, v12;
	v0 =	vor.u32 v0, v1;
	v8 =	vor.u32 v8, v11  }
0x2b: {  	v11 =	vand.u32 $0x7F, v9;
	v9 =	vshll.u32 v9, $0x3;
	v1 =	vor.u32 $0x80, v0  }
0x2c: {  	v2 =	vor.u32 $0x100, v0;
	v3 =	vor.u32 $0x180, v0;
	v4 =	vor.u32 $0x200, v0  }
0x2d: {  	v5 =	vor.u32 $0x280, v0;
	v6 =	vor.u32 $0x300, v0;
	v7 =	vor.u32 $0x380, v0  }
0x2e: {  	v17 =	vld [tilespmem:s20+$0x1100];
	v13 =	vand.u32 $0xFFFFFC00, v9;
	v16 =	vor.u32 $0x100, v8;
	v20 =	vor.u32 $0x180, v8  }
0x2f: {  	v21 =	vld [tilespmem:s20+$0x1180];
	v24 =	vor.u32 $0x200, v8;
	v28 =	vor.u32 $0x280, v8;
	v32 =	vor.u32 $0x300, v8  }
0x30: {  	v25 =	vld [tilespmem:s20+$0x2000];
	v36 =	vor.u32 $0x380, v8;
	v10 =	vor.u32 v11, v13;
	v11 =	vor.u32 v14, v12  }
0x31: {  	v29 =	vld [tilespmem:s20+$0x2080];
	v12 =	vor.u32 $0x80, v8;
	v14 =	vor.u32 $0x80, v10;
	v15 =	vor.u32 $0x80, v11  }
0x32: {  	v33 =	vld [tilespmem:s20+$0x2100];
	v18 =	vor.u32 $0x100, v10;
	v19 =	vor.u32 $0x100, v11;
	v22 =	vor.u32 $0x180, v10  }
0x33: {  	v37 =	vld [tilespmem:s20+$0x2180];
	v23 =	vor.u32 $0x180, v11;
	v26 =	vor.u32 $0x200, v10;
	v27 =	vor.u32 $0x200, v11  }
0x34: {  	v9 =	vld [tilespmem:s20+$0x1000];
	v30 =	vor.u32 $0x280, v10;
	v31 =	vor.u32 $0x280, v11;
	v34 =	vor.u32 $0x300, v10  }
0x35: {  	p0 =	por $0x1, $0x1;
	s19 =	simm.s32 $0x0;
	v13 =	vld [tilespmem:s20+$0x1080];
	v35 =	vor.u32 $0x300, v11;
	v38 =	vor.u32 $0x380, v10;
	v39 =	vor.u32 $0x380, v11  }
.LBB2_4:
0x36: {  	s20 =	sshll.u32 s19, $0x3  }
0x37: {  	v41 =	vmov s20  }
0x38: {  	v41 =	vshrl.u32 v41, $0x3  }
0x39: {  	v41 =	vshll.u32 v41, $0xD  }
0x3a: {  	v41 =	vbroadcast v41, $0x0;
	_ =	sdelay $0x1  }
0x3b: {  	v42 =	vadd.s32 v0, v41  }
0x3c: {  	v43 =	vadd.s32 v8, v41  }
0x3d: {  	v44 =	vadd.s32 v10, v41  }
0x3e: {  	v45 =	vadd.s32 v11, v41  }
0x3f: {  	v46 =	vadd.s32 v1, v41  }
0x40: {  	v47 =	vadd.s32 v12, v41;
	v42 =	vld.idx.msk [tilespmem:v42+s13+$0x0], $0xffff  }
0x41: {  	v48 =	vadd.s32 v14, v41;
	v43 =	vld.idx.msk [tilespmem:v43+s13+$0x0], $0xffff  }
0x42: {  	v49 =	vadd.s32 v15, v41;
	v44 =	vld.idx.msk [tilespmem:v44+s13+$0x0], $0xffff  }
0x43: {  	v50 =	vadd.s32 v2, v41;
	v45 =	vld.idx.msk [tilespmem:v45+s13+$0x0], $0xffff  }
0x44: {  	v51 =	vadd.s32 v16, v41;
	v46 =	vld.idx.msk [tilespmem:v46+s13+$0x0], $0xffff  }
0x45: {  	v54 =	vadd.s32 v3, v41;
	v47 =	vld.idx.msk [tilespmem:v47+s13+$0x0], $0xffff  }
0x46: {  	v56 =	vadd.s32 v22, v41;
	v48 =	vld.idx.msk [tilespmem:v48+s13+$0x0], $0xffff  }
0x47: {  	v57 =	vadd.s32 v23, v41;
	v49 =	vld.idx.msk [tilespmem:v49+s13+$0x0], $0xffff  }
0x48: {  	v59 =	vadd.s32 v24, v41;
	v50 =	vld.idx.msk [tilespmem:v50+s13+$0x0], $0xffff  }
0x49: {  	v62 =	vld.idx.msk [tilespmem:v51+s13+$0x0], $0xffff  }
0x4a: {  	v54 =	vld.idx.msk [tilespmem:v54+s13+$0x0], $0xffff;
	v42 =	vsub.f32 v9, v42  }
0x4b: {  	v56 =	vld.idx.msk [tilespmem:v56+s13+$0x0], $0xffff;
	v43 =	vsub.f32 v13, v43;
	v44 =	vsub.f32 v17, v44  }
0x4c: {  	v57 =	vld.idx.msk [tilespmem:v57+s13+$0x0], $0xffff;
	v45 =	vsub.f32 v21, v45;
	v46 =	vsub.f32 v9, v46  }
0x4d: {  	v51 =	vadd.s32 v5, v41;
	v59 =	vld.idx.msk [tilespmem:v59+s13+$0x0], $0xffff;
	v47 =	vsub.f32 v13, v47;
	v48 =	vsub.f32 v17, v48  }
0x4e: {  	v49 =	vsub.f32 v21, v49;
	v50 =	vsub.f32 v9, v50;
	v42 =	vmul.f32 v42, v25  }
0x4f: {  	v54 =	vsub.f32 v9, v54;
	v43 =	vmul.f32 v43, v29;
	v44 =	vmul.f32 v44, v33  }
0x50: {  	v56 =	vsub.f32 v17, v56;
	v45 =	vmul.f32 v45, v37;
	v46 =	vmul.f32 v46, v25  }
0x51: {  	v57 =	vsub.f32 v21, v57;
	v47 =	vmul.f32 v47, v29;
	v48 =	vmul.f32 v48, v33  }
0x52: {  	v59 =	vsub.f32 v13, v59;
	v49 =	vmul.f32 v49, v37;
	v50 =	vmul.f32 v50, v25  }
0x53: {  	v52 =	vadd.s32 v18, v41;
	v54 =	vmul.f32 v54, v25;
	v56 =	vmul.f32 v56, v33  }
0x54: {  	v58 =	vadd.s32 v4, v41;
	v57 =	vmul.f32 v57, v37;
	v59 =	vmul.f32 v59, v29  }
0x55: {  	v53 =	vadd.s32 v19, v41;
	v42 =	vmul.f32 $1.442695020e+00, v42;
	v43 =	vmul.f32 $1.442695020e+00, v43  }
0x56: {  	v55 =	vadd.s32 v20, v41;
	v51 =	vld.idx.msk [tilespmem:v51+s13+$0x0], $0xffff;
	v63 =	vmul.f32 $1.442695020e+00, v44;
	v46 =	vmul.f32 $1.442695020e+00, v46  }
0x57: {  	v44 =	vsub.f32 v13, v62;
	v62 =	vmul.f32 $1.442695020e+00, v47;
	v48 =	vmul.f32 $1.442695020e+00, v48  }
0x58: {  	v60 =	vadd.s32 v26, v41;
	v50 =	vmul.f32 $1.442695020e+00, v50;
	v54 =	vmul.f32 $1.442695020e+00, v54  }
0x59: {  	v47 =	vld.idx.msk [tilespmem:v58+s13+$0x0], $0xffff;
	v58 =	vadd.s32 v6, v41;
	v56 =	vmul.f32 $1.442695020e+00, v56;
	v57 =	vmul.f32 $1.442695020e+00, v57  }
0x5a: {  	v61 =	vadd.s32 v27, v41;
	v59 =	vmul.f32 $1.442695020e+00, v59;
	(erf) = vpow2.f32 v42  }
0x5b: {  	v51 =	vsub.f32 v9, v51;
	v42 =	vld.idx.msk [tilespmem:v55+s13+$0x0], $0xffff;
	v44 =	vmul.f32 v44, v29;
	(erf) = vpow2.f32 v43  }
0x5c: {  	v55 =	vadd.s32 v31, v41;
	v43 =	vld.idx.msk [tilespmem:v52+s13+$0x0], $0xffff;
	(erf) = vpow2.f32 v63;
	v63 =	vmul.f32 $1.442695020e+00, v45  }
0x5d: {  	v52 =	vadd.s32 v28, v41;
	v51 =	vmul.f32 v51, v25;
	v45 =	vld.idx.msk [tilespmem:v53+s13+$0x0], $0xffff;
	v53 =	vadd.s32 v30, v41  }
0x5e: {  	v44 =	vmul.f32 $1.442695020e+00, v44;
	v58 =	vld.idx.msk [tilespmem:v58+s13+$0x0], $0xffff;
	v47 =	vsub.f32 v9, v47;
	(erf) = vpow2.f32 v63  }
0x5f: {  	v51 =	vmul.f32 $1.442695020e+00, v51;
	(erf) = vpow2.f32 v46;
	v46 =	vld.idx.msk [tilespmem:v60+s13+$0x0], $0xffff;
	v60 =	vadd.s32 v32, v41  }
0x60: {  	v42 =	vsub.f32 v13, v42;
	v47 =	vmul.f32 v47, v25;
	(erf) = vpow2.f32 v62  }
0x61: {  	v55 =	vld.idx.msk [tilespmem:v55+s13+$0x0], $0xffff;
	v43 =	vsub.f32 v17, v43;
	(erf) = vpow2.f32 v48;
	v48 =	vmul.f32 $1.442695020e+00, v49  }
0x62: {  	v52 =	vld.idx.msk [tilespmem:v52+s13+$0x0], $0xffff;
	v45 =	vsub.f32 v21, v45;
	v42 =	vmul.f32 v42, v29;
	v47 =	vmul.f32 $1.442695020e+00, v47  }
0x63: {  	v49 =	vld.idx.msk [tilespmem:v61+s13+$0x0], $0xffff;
	v61 =	vadd.s32 v34, v41;
	v43 =	vmul.f32 v43, v33;
	(erf) = vpow2.f32 v48  }
0x64: {  	v53 =	vld.idx.msk [tilespmem:v53+s13+$0x0], $0xffff;
	v58 =	vsub.f32 v9, v58;
	v45 =	vmul.f32 v45, v37;
	v42 =	vmul.f32 $1.442695020e+00, v42  }
0x65: {  	v48 =	vadd.s32 v35, v41;
	(erf) = vpow2.f32 v50;
	v43 =	vmul.f32 $1.442695020e+00, v43  }
0x66: {  	v46 =	vsub.f32 v17, v46;
	v55 =	vsub.f32 v21, v55;
	v58 =	vmul.f32 v58, v25  }
0x67: {  	(erf) = vpow2.f32 v44;
	v52 =	vsub.f32 v13, v52;
	v45 =	vmul.f32 $1.442695020e+00, v45  }
0x68: {  	(erf) = vpow2.f32 v43;
	v49 =	vsub.f32 v21, v49;
	v46 =	vmul.f32 v46, v33  }
0x69: {  	v60 =	vld.idx.msk [tilespmem:v60+s13+$0x0], $0xffff;
	v53 =	vsub.f32 v17, v53;
	v55 =	vmul.f32 v55, v37;
	v58 =	vmul.f32 $1.442695020e+00, v58  }
0x6a: {  	v50 =	vadd.s32 v7, v41;
	v61 =	vld.idx.msk [tilespmem:v61+s13+$0x0], $0xffff;
	v52 =	vmul.f32 v52, v29;
	(erf) = vpow2.f32 v45  }
0x6b: {  	v44 =	vadd.s32 v36, v41;
	v49 =	vmul.f32 v49, v37;
	v53 =	vmul.f32 v53, v33  }
0x6c: {  	v43 =	vadd.s32 v38, v41;
	v46 =	vmul.f32 $1.442695020e+00, v46;
	v55 =	vmul.f32 $1.442695020e+00, v55  }
0x6d: {  	v41 =	vadd.s32 v39, v41;
	v48 =	vld.idx.msk [tilespmem:v48+s13+$0x0], $0xffff;
	v45 =	vpop (erf);
	(erf) = vpow2.f32 v54;
	v52 =	vmul.f32 $1.442695020e+00, v52  }
0x6e: {  	v60 =	vsub.f32 v13, v60;
	v54 =	vpop (erf);
	(erf) = vpow2.f32 v42;
	v49 =	vmul.f32 $1.442695020e+00, v49  }
0x6f: {  	v50 =	vld.idx.msk [tilespmem:v50+s13+$0x0], $0xffff;
	v53 =	vmul.f32 $1.442695020e+00, v53;
	v45 =	vadd.f32 $1.000000000e+00, v45;
	v61 =	vsub.f32 v17, v61  }
0x70: {  	v44 =	vld.idx.msk [tilespmem:v44+s13+$0x0], $0xffff;
	v60 =	vmul.f32 v60, v29;
	v42 =	vpop (erf);
	(erf) = vpow2.f32 v56;
	v54 =	vadd.f32 $1.000000000e+00, v54  }
0x71: {  	v56 =	vpop (erf);
	(erf) = vpow2.f32 v57;
	v42 =	vadd.f32 $1.000000000e+00, v42;
	v61 =	vmul.f32 v61, v33  }
0x72: {  	v48 =	vsub.f32 v21, v48;
	v57 =	vpop (erf);
	(erf) = vpow2.f32 v47;
	v60 =	vmul.f32 $1.442695020e+00, v60  }
0x73: {  	v43 =	vld.idx.msk [tilespmem:v43+s13+$0x0], $0xffff;
	v63 =	vadd.f32 $1.000000000e+00, v56;
	v45 =	vmul.f32 v54, v45;
	v47 =	vpop (erf);
	(erf) = vpow2.f32 v59  }
0x74: {  	v41 =	vld.idx.msk [tilespmem:v41+s13+$0x0], $0xffff;
	v50 =	vsub.f32 v9, v50;
	v48 =	vmul.f32 v48, v37;
	v59 =	vpop (erf);
	(erf) = vpow2.f32 v46  }
0x75: {  	v44 =	vsub.f32 v13, v44;
	v61 =	vmul.f32 $1.442695020e+00, v61;
	v42 =	vmul.f32 v63, v42  }
0x76: {  	v50 =	vmul.f32 v50, v25;
	v46 =	vpop (erf);
	(erf) = vpow2.f32 v49  }
0x77: {  	v44 =	vmul.f32 v44, v29;
	v49 =	vpop (erf);
	(erf) = vpow2.f32 v51  }
0x78: {  	v43 =	vsub.f32 v17, v43;
	v48 =	vmul.f32 $1.442695020e+00, v48;
	v51 =	vpop (erf);
	(erf) = vpow2.f32 v52  }
0x79: {  	v41 =	vsub.f32 v21, v41;
	v42 =	vmul.f32 v42, v45;
	v52 =	vpop (erf);
	(erf) = vpow2.f32 v53  }
0x7a: {  	v43 =	vmul.f32 v43, v33;
	v53 =	vpop (erf);
	(erf) = vpow2.f32 v55  }
0x7b: {  	v41 =	vmul.f32 v41, v37;
	v55 =	vpop (erf);
	(erf) = vpow2.f32 v58  }
0x7c: {  	v57 =	vadd.f32 $1.000000000e+00, v57;
	v50 =	vmul.f32 $1.442695020e+00, v50;
	v58 =	vpop (erf);
	(erf) = vpow2.f32 v60  }
0x7d: {  	v47 =	vadd.f32 $1.000000000e+00, v47;
	v44 =	vmul.f32 $1.442695020e+00, v44;
	v60 =	vpop (erf);
	(erf) = vpow2.f32 v61  }
0x7e: {  	v43 =	vmul.f32 $1.442695020e+00, v43;
	v61 =	vpop (erf);
	(erf) = vpow2.f32 v48  }
0x7f: {  	v62 =	vadd.f32 $1.000000000e+00, v59;
	v47 =	vmul.f32 v47, v57;
	v48 =	vpop (erf);
	(erf) = vpow2.f32 v50  }
0x80: {  	v46 =	vadd.f32 $1.000000000e+00, v46;
	v41 =	vmul.f32 $1.442695020e+00, v41;
	v50 =	vpop (erf);
	(erf) = vpow2.f32 v44  }
0x81: {  	v57 =	vadd.f32 $1.000000000e+00, v52;
	v59 =	vadd.f32 $1.000000000e+00, v53;
	v44 =	vpop (erf);
	(erf) = vpow2.f32 v43  }
0x82: {  	v63 =	vadd.f32 $1.000000000e+00, v49;
	v56 =	vadd.f32 $1.000000000e+00, v51;
	v43 =	vpop (erf);
	(erf) = vpow2.f32 v41  }
0x83: {  	v41 =	vmul.f32 v46, v62;
	v62 =	vmul.f32 v59, v57  }
0x84: {  	v45 =	vmul.f32 v56, v63;
	v63 =	vadd.f32 $1.000000000e+00, v55;
	v48 =	vadd.f32 $1.000000000e+00, v48;
	v49 =	vpop (erf)  }
0x85: {  	v50 =	vadd.f32 $1.000000000e+00, v50;
	v57 =	vadd.f32 $1.000000000e+00, v58;
	v58 =	vpop (erf)  }
0x86: {  	v59 =	vadd.f32 $1.000000000e+00, v60;
	v60 =	vadd.f32 $1.000000000e+00, v61;
	v61 =	vpop (erf)  }
0x87: {  	v44 =	vadd.f32 $1.000000000e+00, v44;
	v48 =	vmul.f32 v50, v48;
	v45 =	vmul.f32 v62, v45;
	v62 =	vpop (erf)  }
0x88: {  	v43 =	vadd.f32 $1.000000000e+00, v43;
	v41 =	vmul.f32 v41, v47;
	v51 =	vmul.f32 v57, v63;
	v63 =	vpop (erf)  }
0x89: {  	v49 =	vadd.f32 $1.000000000e+00, v49;
	v53 =	vmul.f32 v60, v59;
	v47 =	vadd.f32 $1.000000000e+00, v58;
	v55 =	vpop (erf)  }
0x8a: {  	v43 =	vmul.f32 v43, v44;
	v46 =	vadd.f32 $1.000000000e+00, v61;
	v52 =	vadd.f32 $1.000000000e+00, v62;
	v57 =	vpop (erf)  }
0x8b: {  	v51 =	vmul.f32 v53, v51;
	v56 =	vmul.f32 v47, v49;
	v59 =	vpop (erf)  }
0x8c: {  	v43 =	vmul.f32 v43, v48;
	v58 =	vadd.f32 $1.000000000e+00, v63;
	v46 =	vmul.f32 v52, v46;
	v60 =	vpop (erf)  }
0x8d: {  	v47 =	vadd.f32 $1.000000000e+00, v57;
	v52 =	vadd.f32 $1.000000000e+00, v59;
	(erf) = vrcp.f32 v42;
	v61 =	vpop (erf)  }
0x8e: {  	v50 =	vadd.f32 $1.000000000e+00, v55;
	v44 =	vmul.f32 v46, v56;
	(erf) = vrcp.f32 v41;
	v63 =	vpop (erf)  }
0x8f: {  	v47 =	vmul.f32 v52, v47;
	v52 =	vadd.f32 $1.000000000e+00, v60;
	v46 =	vadd.f32 $1.000000000e+00, v61;
	v53 =	vpop (erf)  }
0x90: {  	(erf) = vrcp.f32 v45;
	v54 =	vadd.f32 $1.000000000e+00, v63;
	v42 =	vadd.f32 $1.000000000e+00, v53  }
0x91: {  	v62 =	vmul.f32 v50, v58;
	(erf) = vrcp.f32 v51  }
0x92: {  	v46 =	vmul.f32 v46, v52;
	v41 =	vmul.f32 v42, v54  }
0x93: {  	v55 =	vmul.f32 v47, v62;
	(erf) = vrcp.f32 v43  }
0x94: {  	(erf) = vrcp.f32 v44;
	v41 =	vmul.f32 v41, v46  }
0x95: {  	(erf) = vrcp.f32 v55  }
0x96: {  	(erf) = vrcp.f32 v41  }
0x97: {  	s31 =	sshll.u32 s19, $0xD  }
0x98: {  	s19 =	sand.u32 $0x3FFFE000, s31;
	v56 =	vpop (erf)  }
0x99: {  	[tilespmem:v40+s19+$0x0 ss:$0x1] =	vst.idx.msk $0xffff, v56;
	v57 =	vpop (erf)  }
0x9a: {  	[tilespmem:v40+s19+$0x80 ss:$0x1] =	vst.idx.msk $0xffff, v57;
	v58 =	vpop (erf)  }
0x9b: {  	p1 =	por p0, p0;
	[tilespmem:v40+s19+$0x100 ss:$0x1] =	vst.idx.msk $0xffff, v58;
	v59 =	vpop (erf)  }
.Ltmp0:
0x9c: {  	[tilespmem:v40+s19+$0x180 ss:$0x1] =	vst.idx.msk $0xffff, v59;
	v60 =	vpop (erf);
	(pc) =	sbr.rel @p1 .LBB2_4-.Ltmp0, $4  }
0x9d: {  	[tilespmem:v40+s19+$0x200 ss:$0x1] =	vst.idx.msk $0xffff, v60;
	v61 =	vpop (erf)  }
0x9e: {  	[tilespmem:v40+s19+$0x280 ss:$0x1] =	vst.idx.msk $0xffff, v61;
	v62 =	vpop (erf)  }
0x9f: {  	[tilespmem:v40+s19+$0x300 ss:$0x1] =	vst.idx.msk $0xffff, v62;
	v63 =	vpop (erf)  }
0xa0: {  	p0 =	por $0x0, $0x0;
	[tilespmem:v40+s19+$0x380 ss:$0x1] =	vst.idx.msk $0xffff, v63;
	s19 =	simm.s32 $0x1  }
0xa1: {  	s18 =	sadd.s32 $0x1, s18  }
0xa2: {  	p0 =	sne.s32 s18, $0x40  }
.Ltmp1:
0xa3: {  	_ = 	snop;
	(pc) =	sbr.rel @p0 .LBB2_3-.Ltmp1, $1  }
0xa4: {  	_ =	sdelay $0x3  }
0xa5: {  	s16 =	sadd.s32 $0x1, s16  }
0xa6: {  	p0 =	sne.s32 s16, $0x4  }
.Ltmp2:
0xa7: {  	s17 =	sadd.s32 s7, s17;
	(pc) =	sbr.rel @p0 .LBB2_2-.Ltmp2, $4  }
0xa8: {  	[hbm4b:s17+s2] =	stream.linear.scatter [tilespmem:s14], [sflag:$0x1], $0x4000, $0x38;
	[tilespmem:$0xB000] =	vst v63  }
0xa9: {  	_ =	swait.ge [sflag:s10], $0x4000  }
0xaa: {  	[sflag:s10] =	ssyncset.done $0x0  }
0xab: {  	[sflag:s10] =	ssyncadd.s32 $0xFFFFC000  }
0xac: {  	s15 =	sadd.s32 $0x1, s15  }
0xad: {  	p0 =	sne.s32 s15, s9  }
.Ltmp3:
0xae: {  	_ = 	snop;
	(pc) =	sbr.rel @p0 .LBB2_1-.Ltmp3, $1  }
0xaf: {  	_ =	sdelay $0x3  }
0xb0: {  	_ =	sfence.sel $0x180000  }
0xb1: {  	[bflag:$0x0] =	sbarrier.arrive $0xFFFF  }
0xb2: {  	p0 =	sne.s32 s3, $0x0;
	_ =	strace $0x90000047  }
0xb3: {  	s0 =	sadd.s32 @!p0 $0x100000, s0;
	[bflag:$0x2] =	sbarrier.arrive $0xFFFF  }
0xb4: {  	[sflag:s0] =	ssyncadd.tile.s32 @!p0 $0x1;
	_ =	shalt  }
.Lfunc_end2:
_tile_overlayer_lowered:
.L_overlay_start_2:
0xb5: {  	(tag) =	ssettag $0x2  }
0xb6: {  	s0 =	rddreg [dreg:$0x0];
	s2 =	stileid.u32  }
0xb7: {  	s1 =	rddreg [dreg:$0x1];
	p0 =	sne.s32 s2, $0x0  }
0xb8: {  	s3 =	rddreg [dreg:$0x2];
	[bflag:$0x3] =	sbarrier.arrive $0xFFFF;
	s2 =	simm.s32 @!p0 $0x1C01  }
0xb9: {  	[timem:s3], [sflag:s2] =	dma.local @!p0 [hbm:s0], s1  }
0xba: {  	s0 =	simm.s32 @!p0 $0x1  }
0xbb: {  	_ =	swait.ge @!p0 [sflag:s0], s1  }
0xbc: {  	s1 =	ssub.s32 @!p0 $0x0, s1;
	[sflag:s0] =	ssyncset.done @!p0 $0x0  }
0xbd: {  	[sflag:s0] =	ssyncadd.s32 @!p0 s1  }
0xbe: {  	[bflag:$0x3] =	sbarrier.arrive $0xFFFF  }
0xbf: {  	_ =	shalt  }

</sc_bundles>
